<compile_context>
chip_gen: v7x
topology: tpu7x:2x2x1
jax: 0.10.2.dev20260603
libtpu: 0.0.44.dev20260713+nightly
codegen_flags: <defaults>
</compile_context>

<pallas_src>
import functools

import jax
import jax.numpy as jnp
from jax import lax
from jax.experimental import pallas as pl
from jax.experimental.pallas import tpu as pltpu
from jax.experimental.pallas import tpu_sc as plsc

B = 16384
F = 26
FIELD = 100000
VPAD = 2600960
NW = 32
BPW = B // NW
L = 16
NC = 4
CS = BPW // NC
CHUNK = F * CS

_mesh = plsc.VectorSubcoreMesh(core_axis_name="c", subcore_axis_name="s")


@functools.partial(
    pl.kernel,
    mesh=_mesh,
    out_type=jax.ShapeDtypeStruct((B,), jnp.float32),
    scratch_types=[
        pltpu.VMEM((NC, F, CS), jnp.int32),
        *[pltpu.VMEM((CHUNK,), jnp.int32) for _ in range(NC)],
        *[pltpu.VMEM((CHUNK,), jnp.float32) for _ in range(NC)],
        pltpu.VMEM((BPW,), jnp.float32),
        pltpu.VMEM((L,), jnp.float32),
        pltpu.SemaphoreType.DMA((NC,)),
        pltpu.SemaphoreType.DMA((NC,)),
    ],
)
def _features_linear_sc(xt_hbm, bias_hbm, tab_hbm, out_hbm,
                        xv, i0, i1, i2, i3, v0, v1, v2, v3,
                        outv, biasv, xsem, gsem):
    idxs = (i0, i1, i2, i3)
    vals = (v0, v1, v2, v3)
    wid = lax.axis_index("s") * 2 + lax.axis_index("c")
    base = wid * BPW

    for c in range(NC):
        pltpu.async_copy(xt_hbm.at[:, pl.ds(base + c * CS, CS)],
                         xv.at[c], xsem.at[c])

    for c in range(NC):
        pltpu.make_async_copy(xt_hbm.at[:, pl.ds(base + c * CS, CS)],
                              xv.at[c], xsem.at[c]).wait()

        def build(i, _, c=c):
            f = i // (CS // L)
            jj = (i % (CS // L)) * L
            idxs[c][pl.ds(i * L, L)] = xv[c, f, pl.ds(jj, L)] + f * FIELD
            return 0

        lax.fori_loop(0, CHUNK // L, build, 0, unroll=4)
        pltpu.async_copy(tab_hbm.at[idxs[c]], vals[c], gsem.at[c])

    pltpu.sync_copy(bias_hbm, biasv)

    for c in range(NC):
        pltpu.make_async_copy(tab_hbm.at[idxs[c]], vals[c], gsem.at[c]).wait()

        def reduce(i, _, c=c):
            jj = i * L

            def fstep(f, a):
                return a + vals[c][pl.ds(f * CS + jj, L)]

            outv[pl.ds(c * CS + jj, L)] = lax.fori_loop(0, F, fstep,
                                                        biasv[...], unroll=2)
            return 0

        lax.fori_loop(0, CS // L, reduce, 0)

    pltpu.sync_copy(outv, out_hbm.at[pl.ds(base, BPW)])


def kernel(x, fc_weight, bias):
    xt = x.astype(jnp.int32).T
    tabp = jnp.pad(fc_weight, ((0, VPAD - F * FIELD), (0, 0))).reshape(-1)
    bias16 = jnp.broadcast_to(bias.astype(jnp.float32), (L,))
    out = _features_linear_sc(xt, bias16, tabp)
    return out.reshape(B, 1)

# --- scband reference (transcript-rebuilt; emitter-appended) ---
"""Pipeline reference for scband-features-linear-29059748725404 (READ-ONLY COPY).

The authoritative reference and input builder live on the scoring server;
editing this copy changes nothing except your own understanding.
"""

import jax, jax.numpy as jnp
import numpy as np

FIELD_DIMS = [100000] * 26
OUTPUT_DIM = 1
NUM_EMB = sum(FIELD_DIMS)
OFFSETS = np.array((0, *np.cumsum(FIELD_DIMS)[:-1]), dtype=np.int64)
BATCH = 16384
NUM_FIELDS = len(FIELD_DIMS)


def setup_inputs(seed: int = 0) -> dict:
    key = jax.random.key(seed)
    k_x, k_w = jax.random.split(key)
    x = jax.random.randint(k_x, (BATCH, NUM_FIELDS), 0, 100000, dtype=jnp.int64)
    # xavier_uniform on (NUM_EMB, OUTPUT_DIM)
    bound = float(np.sqrt(6.0 / (NUM_EMB + OUTPUT_DIM)))
    fc_weight = jax.random.uniform(k_w, (NUM_EMB, OUTPUT_DIM), minval=-bound, maxval=bound, dtype=jnp.float32)
    bias = jnp.zeros((OUTPUT_DIM,), dtype=jnp.float32)
    return {"x": x, "fc_weight": fc_weight, "bias": bias}


def reference(x, fc_weight, bias):
    offsets = jnp.asarray(OFFSETS)
    idx = x + offsets[None, :]                    # (B, F)
    emb = jnp.take(fc_weight, idx, axis=0)        # (B, F, output_dim)
    return jnp.sum(emb, axis=1) + bias            # (B, output_dim)

if __name__ == "__main__":
    import jax
    _d = setup_inputs()
    print(jax.jit(kernel)(*tuple(_d.values())))

</pallas_src>

<mosaic_0001>
#map = affine_map<(d0, d1) -> (0, 0)>
#map1 = affine_map<(d0, d1) -> (0)>
module attributes {stable_mosaic.version = 14 : i64} {
  func.func @_features_linear_sc(%arg0: i32, %arg1: i32, %arg2: memref<26x16384xi32, #tpu.memory_space<hbm>>, %arg3: memref<16xf32, #tpu.memory_space<hbm>>, %arg4: memref<2600960xf32, #tpu.memory_space<hbm>>, %arg5: memref<16384xf32, #tpu.memory_space<hbm>>, %arg6: memref<4x26x128xi32, #tpu.memory_space<vmem>>, %arg7: memref<3328xi32, #tpu.memory_space<vmem>>, %arg8: memref<3328xi32, #tpu.memory_space<vmem>>, %arg9: memref<3328xi32, #tpu.memory_space<vmem>>, %arg10: memref<3328xi32, #tpu.memory_space<vmem>>, %arg11: memref<3328xf32, #tpu.memory_space<vmem>>, %arg12: memref<3328xf32, #tpu.memory_space<vmem>>, %arg13: memref<3328xf32, #tpu.memory_space<vmem>>, %arg14: memref<3328xf32, #tpu.memory_space<vmem>>, %arg15: memref<512xf32, #tpu.memory_space<vmem>>, %arg16: memref<16xf32, #tpu.memory_space<vmem>>, %arg17: memref<4x!tpu.dma_semaphore, #tpu.memory_space<semaphore_mem>>, %arg18: memref<4x!tpu.dma_semaphore, #tpu.memory_space<semaphore_mem>>) attributes {dimension_semantics = [#tpu.dimension_semantics<core_parallel>, #tpu.dimension_semantics<subcore_parallel>], iteration_bounds = array<i64: 2, 16>, scalar_prefetch = 0 : i64, scratch_operands = 13 : i64, tpu.core_type = #tpu.core_type<sc_vector_subcore>, window_params = [{transform_indices = #map}, {transform_indices = #map1}, {transform_indices = #map1}, {transform_indices = #map1}]} {
    %mul3A = arith.constant 2 : i32
    %mul3A_0 = arith.muli %arg1, %mul3A : i32
    %add3A = arith.addi %mul3A_0, %arg0 : i32
    %mul3A_1 = arith.constant 512 : i32
    %mul3A_2 = arith.muli %add3A, %mul3A_1 : i32
    %add3A_3 = arith.constant 0 : i32
    %add3A_4 = arith.addi %mul3A_2, %add3A_3 : i32
    %dma_start3A = arith.constant 0 : i32
    %dma_start3A_5 = arith.constant 0 : i32
    %dma_start3A_6 = arith.constant 0 : i32
    %dma_start3A_7 = arith.constant 0 : i32
    %dma_start3A_8 = tpu.memref_slice %arg6[%dma_start3A, %dma_start3A_6, %dma_start3A_7] : memref<4x26x128xi32, #tpu.memory_space<vmem>> -> memref<1x26x128xi32, #tpu.memory_space<vmem>>
    %dma_start3A_9 = tpu.memref_squeeze %dma_start3A_8 : memref<1x26x128xi32, #tpu.memory_space<vmem>> -> memref<26x128xi32, #tpu.memory_space<vmem>>
    %dma_start3A_10 = arith.constant 0 : i32
    %dma_start3A_11 = tpu.memref_slice %arg2[%dma_start3A_10, %add3A_4] : memref<26x16384xi32, #tpu.memory_space<hbm>> -> memref<26x128xi32, #tpu.memory_space<hbm>>
    %dma_start3A_12 = tpu.memref_slice %arg17[%dma_start3A_5] : memref<4x!tpu.dma_semaphore, #tpu.memory_space<semaphore_mem>> -> memref<1x!tpu.dma_semaphore, #tpu.memory_space<semaphore_mem>>
    %dma_start3A_13 = tpu.memref_squeeze %dma_start3A_12 : memref<1x!tpu.dma_semaphore, #tpu.memory_space<semaphore_mem>> -> memref<!tpu.dma_semaphore, #tpu.memory_space<semaphore_mem>>
    %dma_start3A_14 = arith.constant 0 : i32
    %dma_start3A_15 = arith.constant 0 : i32
    %dma_start3A_16 = tpu.memref_slice %arg6[%dma_start3A, %dma_start3A_14, %dma_start3A_15] : memref<4x26x128xi32, #tpu.memory_space<vmem>> -> memref<1x26x128xi32, #tpu.memory_space<vmem>>
    %dma_start3A_17 = tpu.memref_squeeze %dma_start3A_16 : memref<1x26x128xi32, #tpu.memory_space<vmem>> -> memref<26x128xi32, #tpu.memory_space<vmem>>
    %dma_start3A_18 = arith.constant 0 : i32
    %dma_start3A_19 = tpu.memref_slice %arg2[%dma_start3A_18, %add3A_4] : memref<26x16384xi32, #tpu.memory_space<hbm>> -> memref<26x128xi32, #tpu.memory_space<hbm>>
    tpu.enqueue_dma source(%dma_start3A_19 : memref<26x128xi32, #tpu.memory_space<hbm>>) target(%dma_start3A_17 : memref<26x128xi32, #tpu.memory_space<vmem>>) target_semaphore(%dma_start3A_13 : memref<!tpu.dma_semaphore, #tpu.memory_space<semaphore_mem>>)
    %add3A_20 = arith.constant 128 : i32
    %add3A_21 = arith.addi %mul3A_2, %add3A_20 : i32
    %dma_start3A_22 = arith.constant 1 : i32
    %dma_start3A_23 = arith.constant 1 : i32
    %dma_start3A_24 = arith.constant 0 : i32
    %dma_start3A_25 = arith.constant 0 : i32
    %dma_start3A_26 = tpu.memref_slice %arg6[%dma_start3A_22, %dma_start3A_24, %dma_start3A_25] : memref<4x26x128xi32, #tpu.memory_space<vmem>> -> memref<1x26x128xi32, #tpu.memory_space<vmem>>
    %dma_start3A_27 = tpu.memref_squeeze %dma_start3A_26 : memref<1x26x128xi32, #tpu.memory_space<vmem>> -> memref<26x128xi32, #tpu.memory_space<vmem>>
    %dma_start3A_28 = arith.constant 0 : i32
    %dma_start3A_29 = tpu.memref_slice %arg2[%dma_start3A_28, %add3A_21] : memref<26x16384xi32, #tpu.memory_space<hbm>> -> memref<26x128xi32, #tpu.memory_space<hbm>>
    %dma_start3A_30 = tpu.memref_slice %arg17[%dma_start3A_23] : memref<4x!tpu.dma_semaphore, #tpu.memory_space<semaphore_mem>> -> memref<1x!tpu.dma_semaphore, #tpu.memory_space<semaphore_mem>>
    %dma_start3A_31 = tpu.memref_squeeze %dma_start3A_30 : memref<1x!tpu.dma_semaphore, #tpu.memory_space<semaphore_mem>> -> memref<!tpu.dma_semaphore, #tpu.memory_space<semaphore_mem>>
    %dma_start3A_32 = arith.constant 0 : i32
    %dma_start3A_33 = arith.constant 0 : i32
    %dma_start3A_34 = tpu.memref_slice %arg6[%dma_start3A_22, %dma_start3A_32, %dma_start3A_33] : memref<4x26x128xi32, #tpu.memory_space<vmem>> -> memref<1x26x128xi32, #tpu.memory_space<vmem>>
    %dma_start3A_35 = tpu.memref_squeeze %dma_start3A_34 : memref<1x26x128xi32, #tpu.memory_space<vmem>> -> memref<26x128xi32, #tpu.memory_space<vmem>>
    %dma_start3A_36 = arith.constant 0 : i32
    %dma_start3A_37 = tpu.memref_slice %arg2[%dma_start3A_36, %add3A_21] : memref<26x16384xi32, #tpu.memory_space<hbm>> -> memref<26x128xi32, #tpu.memory_space<hbm>>
    tpu.enqueue_dma source(%dma_start3A_37 : memref<26x128xi32, #tpu.memory_space<hbm>>) target(%dma_start3A_35 : memref<26x128xi32, #tpu.memory_space<vmem>>) target_semaphore(%dma_start3A_31 : memref<!tpu.dma_semaphore, #tpu.memory_space<semaphore_mem>>)
    %add3A_38 = arith.constant 256 : i32
    %add3A_39 = arith.addi %mul3A_2, %add3A_38 : i32
    %dma_start3A_40 = arith.constant 2 : i32
    %dma_start3A_41 = arith.constant 2 : i32
    %dma_start3A_42 = arith.constant 0 : i32
    %dma_start3A_43 = arith.constant 0 : i32
    %dma_start3A_44 = tpu.memref_slice %arg6[%dma_start3A_40, %dma_start3A_42, %dma_start3A_43] : memref<4x26x128xi32, #tpu.memory_space<vmem>> -> memref<1x26x128xi32, #tpu.memory_space<vmem>>
    %dma_start3A_45 = tpu.memref_squeeze %dma_start3A_44 : memref<1x26x128xi32, #tpu.memory_space<vmem>> -> memref<26x128xi32, #tpu.memory_space<vmem>>
    %dma_start3A_46 = arith.constant 0 : i32
    %dma_start3A_47 = tpu.memref_slice %arg2[%dma_start3A_46, %add3A_39] : memref<26x16384xi32, #tpu.memory_space<hbm>> -> memref<26x128xi32, #tpu.memory_space<hbm>>
    %dma_start3A_48 = tpu.memref_slice %arg17[%dma_start3A_41] : memref<4x!tpu.dma_semaphore, #tpu.memory_space<semaphore_mem>> -> memref<1x!tpu.dma_semaphore, #tpu.memory_space<semaphore_mem>>
    %dma_start3A_49 = tpu.memref_squeeze %dma_start3A_48 : memref<1x!tpu.dma_semaphore, #tpu.memory_space<semaphore_mem>> -> memref<!tpu.dma_semaphore, #tpu.memory_space<semaphore_mem>>
    %dma_start3A_50 = arith.constant 0 : i32
    %dma_start3A_51 = arith.constant 0 : i32
    %dma_start3A_52 = tpu.memref_slice %arg6[%dma_start3A_40, %dma_start3A_50, %dma_start3A_51] : memref<4x26x128xi32, #tpu.memory_space<vmem>> -> memref<1x26x128xi32, #tpu.memory_space<vmem>>
    %dma_start3A_53 = tpu.memref_squeeze %dma_start3A_52 : memref<1x26x128xi32, #tpu.memory_space<vmem>> -> memref<26x128xi32, #tpu.memory_space<vmem>>
    %dma_start3A_54 = arith.constant 0 : i32
    %dma_start3A_55 = tpu.memref_slice %arg2[%dma_start3A_54, %add3A_39] : memref<26x16384xi32, #tpu.memory_space<hbm>> -> memref<26x128xi32, #tpu.memory_space<hbm>>
    tpu.enqueue_dma source(%dma_start3A_55 : memref<26x128xi32, #tpu.memory_space<hbm>>) target(%dma_start3A_53 : memref<26x128xi32, #tpu.memory_space<vmem>>) target_semaphore(%dma_start3A_49 : memref<!tpu.dma_semaphore, #tpu.memory_space<semaphore_mem>>)
    %add3A_56 = arith.constant 384 : i32
    %add3A_57 = arith.addi %mul3A_2, %add3A_56 : i32
    %dma_start3A_58 = arith.constant 3 : i32
    %dma_start3A_59 = arith.constant 3 : i32
    %dma_start3A_60 = arith.constant 0 : i32
    %dma_start3A_61 = arith.constant 0 : i32
    %dma_start3A_62 = tpu.memref_slice %arg6[%dma_start3A_58, %dma_start3A_60, %dma_start3A_61] : memref<4x26x128xi32, #tpu.memory_space<vmem>> -> memref<1x26x128xi32, #tpu.memory_space<vmem>>
    %dma_start3A_63 = tpu.memref_squeeze %dma_start3A_62 : memref<1x26x128xi32, #tpu.memory_space<vmem>> -> memref<26x128xi32, #tpu.memory_space<vmem>>
    %dma_start3A_64 = arith.constant 0 : i32
    %dma_start3A_65 = tpu.memref_slice %arg2[%dma_start3A_64, %add3A_57] : memref<26x16384xi32, #tpu.memory_space<hbm>> -> memref<26x128xi32, #tpu.memory_space<hbm>>
    %dma_start3A_66 = tpu.memref_slice %arg17[%dma_start3A_59] : memref<4x!tpu.dma_semaphore, #tpu.memory_space<semaphore_mem>> -> memref<1x!tpu.dma_semaphore, #tpu.memory_space<semaphore_mem>>
    %dma_start3A_67 = tpu.memref_squeeze %dma_start3A_66 : memref<1x!tpu.dma_semaphore, #tpu.memory_space<semaphore_mem>> -> memref<!tpu.dma_semaphore, #tpu.memory_space<semaphore_mem>>
    %dma_start3A_68 = arith.constant 0 : i32
    %dma_start3A_69 = arith.constant 0 : i32
    %dma_start3A_70 = tpu.memref_slice %arg6[%dma_start3A_58, %dma_start3A_68, %dma_start3A_69] : memref<4x26x128xi32, #tpu.memory_space<vmem>> -> memref<1x26x128xi32, #tpu.memory_space<vmem>>
    %dma_start3A_71 = tpu.memref_squeeze %dma_start3A_70 : memref<1x26x128xi32, #tpu.memory_space<vmem>> -> memref<26x128xi32, #tpu.memory_space<vmem>>
    %dma_start3A_72 = arith.constant 0 : i32
    %dma_start3A_73 = tpu.memref_slice %arg2[%dma_start3A_72, %add3A_57] : memref<26x16384xi32, #tpu.memory_space<hbm>> -> memref<26x128xi32, #tpu.memory_space<hbm>>
    tpu.enqueue_dma source(%dma_start3A_73 : memref<26x128xi32, #tpu.memory_space<hbm>>) target(%dma_start3A_71 : memref<26x128xi32, #tpu.memory_space<vmem>>) target_semaphore(%dma_start3A_67 : memref<!tpu.dma_semaphore, #tpu.memory_space<semaphore_mem>>)
    %add3A_74 = arith.constant 0 : i32
    %add3A_75 = arith.addi %mul3A_2, %add3A_74 : i32
    %dma_wait3A = arith.constant 0 : i32
    %dma_wait3A_76 = arith.constant 0 : i32
    %dma_wait3A_77 = arith.constant 0 : i32
    %dma_wait3A_78 = arith.constant 0 : i32
    %dma_wait3A_79 = tpu.memref_slice %arg6[%dma_wait3A, %dma_wait3A_77, %dma_wait3A_78] : memref<4x26x128xi32, #tpu.memory_space<vmem>> -> memref<1x26x128xi32, #tpu.memory_space<vmem>>
    %dma_wait3A_80 = tpu.memref_squeeze %dma_wait3A_79 : memref<1x26x128xi32, #tpu.memory_space<vmem>> -> memref<26x128xi32, #tpu.memory_space<vmem>>
    %dma_wait3A_81 = arith.constant 0 : i32
    %dma_wait3A_82 = tpu.memref_slice %arg2[%dma_wait3A_81, %add3A_75] : memref<26x16384xi32, #tpu.memory_space<hbm>> -> memref<26x128xi32, #tpu.memory_space<hbm>>
    %dma_wait3A_83 = tpu.memref_slice %arg17[%dma_wait3A_76] : memref<4x!tpu.dma_semaphore, #tpu.memory_space<semaphore_mem>> -> memref<1x!tpu.dma_semaphore, #tpu.memory_space<semaphore_mem>>
    %dma_wait3A_84 = tpu.memref_squeeze %dma_wait3A_83 : memref<1x!tpu.dma_semaphore, #tpu.memory_space<semaphore_mem>> -> memref<!tpu.dma_semaphore, #tpu.memory_space<semaphore_mem>>
    %dma_wait3A_85 = arith.constant 0 : i32
    %dma_wait3A_86 = arith.constant 0 : i32
    %dma_wait3A_87 = tpu.memref_slice %arg6[%dma_wait3A, %dma_wait3A_85, %dma_wait3A_86] : memref<4x26x128xi32, #tpu.memory_space<vmem>> -> memref<1x26x128xi32, #tpu.memory_space<vmem>>
    %dma_wait3A_88 = tpu.memref_squeeze %dma_wait3A_87 : memref<1x26x128xi32, #tpu.memory_space<vmem>> -> memref<26x128xi32, #tpu.memory_space<vmem>>
    %dma_wait3A_89 = arith.constant 0 : i32
    %dma_wait3A_90 = tpu.memref_slice %arg2[%dma_wait3A_89, %add3A_75] : memref<26x16384xi32, #tpu.memory_space<hbm>> -> memref<26x128xi32, #tpu.memory_space<hbm>>
    tpu.wait_dma2 semaphore(%dma_wait3A_84 : memref<!tpu.dma_semaphore, #tpu.memory_space<semaphore_mem>>) src(%dma_wait3A_90 : memref<26x128xi32, #tpu.memory_space<hbm>>) dst(%dma_wait3A_88 : memref<26x128xi32, #tpu.memory_space<vmem>>)
    %scan3A = arith.constant 0 : i32
    %scan3A_91 = arith.constant 0 : i32
    %scan3A_92 = arith.constant 208 : i32
    %scan3A_93 = arith.addi %scan3A_91, %scan3A_92 : i32
    %scan3A_94 = arith.constant 4 : i32
    %scan3A_95 = scf.for %scan3A_240 = %scan3A_91 to %scan3A_93 step %scan3A_94 iter_args(%scan3A_241 = %scan3A) -> (i32)  : i32 {
      %jit3A = arith.constant 8 : i32
      %div3A = arith.divsi %scan3A_240, %jit3A : i32
      %sign3A = arith.constant 0 : i32
      %sign3A_242 = arith.cmpi sgt, %scan3A_240, %sign3A : i32
      %sign3A_243 = arith.extui %sign3A_242 : i1 to i32
      %sign3A_244 = arith.constant 0 : i32
      %sign3A_245 = arith.cmpi slt, %scan3A_240, %sign3A_244 : i32
      %sign3A_246 = arith.extui %sign3A_245 : i1 to i32
      %sign3A_247 = arith.subi %sign3A_243, %sign3A_246 : i32
      %sign3A_248 = arith.constant 0 : i32
      %sign3A_249 = arith.cmpi sgt, %jit3A, %sign3A_248 : i32
      %sign3A_250 = arith.extui %sign3A_249 : i1 to i32
      %sign3A_251 = arith.constant 0 : i32
      %sign3A_252 = arith.cmpi slt, %jit3A, %sign3A_251 : i32
      %sign3A_253 = arith.extui %sign3A_252 : i1 to i32
      %sign3A_254 = arith.subi %sign3A_250, %sign3A_253 : i32
      %ne3A = arith.cmpi ne, %sign3A_247, %sign3A_254 : i32
      %rem3A = arith.remsi %scan3A_240, %jit3A : i32
      %ne3A_255 = arith.constant 0 : i32
      %ne3A_256 = arith.cmpi ne, %rem3A, %ne3A_255 : i32
      %and3A = arith.andi %ne3A, %ne3A_256 : i1
      %sub3A = arith.constant 1 : i32
      %sub3A_257 = arith.subi %div3A, %sub3A : i32
      %select_n3A = arith.select %and3A, %sub3A_257, %div3A : i32
      %jit3A_258 = arith.constant 8 : i32
      %eq3A = arith.constant 0 : i32
      %eq3A_259 = arith.cmpi eq, %jit3A_258, %eq3A : i32
      %jit3A_260 = arith.constant 1 : i32
      %select_n3A_261 = arith.select %eq3A_259, %jit3A_260, %jit3A_258 : i32
      %rem3A_262 = arith.remsi %scan3A_240, %select_n3A_261 : i32
      %ne3A_263 = arith.constant 0 : i32
      %ne3A_264 = arith.cmpi ne, %rem3A_262, %ne3A_263 : i32
      %lt3A = arith.constant 0 : i32
      %lt3A_265 = arith.cmpi slt, %rem3A_262, %lt3A : i32
      %lt3A_266 = arith.constant 0 : i32
      %lt3A_267 = arith.cmpi slt, %select_n3A_261, %lt3A_266 : i32
      %ne3A_268 = arith.xori %lt3A_265, %lt3A_267 : i1
      %and3A_269 = arith.andi %ne3A_268, %ne3A_264 : i1
      %add3A_270 = arith.addi %rem3A_262, %select_n3A_261 : i32
      %select_n3A_271 = arith.select %and3A_269, %add3A_270, %rem3A_262 : i32
      %mul3A_272 = arith.constant 16 : i32
      %mul3A_273 = arith.muli %select_n3A_271, %mul3A_272 : i32
      %get3A = arith.constant 0 : i32
      %get3A_274 = arith.index_cast %get3A : i32 to index
      %get3A_275 = arith.index_cast %select_n3A : i32 to index
      %get3A_276 = arith.index_cast %mul3A_273 : i32 to index
      %get3A_277 = tpu.vector_load %arg6[%get3A_274, %get3A_275, %get3A_276] {strides = array<i32>} : memref<4x26x128xi32, #tpu.memory_space<vmem>>, vector<1x1x16xi32>,
      %get3A_278 = vector.shape_cast %get3A_277 : vector<1x1x16xi32> to vector<16xi32>
      %mul3A_279 = arith.constant 100000 : i32
      %mul3A_280 = arith.muli %select_n3A, %mul3A_279 : i32
      %add3A_281 = vector.broadcast %mul3A_280 : i32 to vector<16xi32>
      %add3A_282 = arith.addi %get3A_278, %add3A_281 : vector<16xi32>
      %mul3A_283 = arith.constant 16 : i32
      %mul3A_284 = arith.muli %scan3A_240, %mul3A_283 : i32
      %swap3A = arith.index_cast %mul3A_284 : i32 to index
      %swap3A_285 = tpu.vector_load %arg7[%swap3A] {strides = array<i32>} : memref<3328xi32, #tpu.memory_space<vmem>>, vector<16xi32>,
      %swap3A_286 = vector.shape_cast %swap3A_285 : vector<16xi32> to vector<16xi32>
      %swap3A_287 = vector.shape_cast %add3A_282 : vector<16xi32> to vector<16xi32>
      tpu.vector_store %arg7[%swap3A], %swap3A_287 {strides = array<i32>} : memref<3328xi32, #tpu.memory_space<vmem>>, vector<16xi32>,
      %scan3A_288 = arith.constant 0 : i32
      %scan3A_289 = arith.constant 1 : i32
      %scan3A_290 = arith.addi %scan3A_240, %scan3A_289 : i32
      %jit3A_291 = arith.constant 8 : i32
      %div3A_292 = arith.divsi %scan3A_290, %jit3A_291 : i32
      %sign3A_293 = arith.constant 0 : i32
      %sign3A_294 = arith.cmpi sgt, %scan3A_290, %sign3A_293 : i32
      %sign3A_295 = arith.extui %sign3A_294 : i1 to i32
      %sign3A_296 = arith.constant 0 : i32
      %sign3A_297 = arith.cmpi slt, %scan3A_290, %sign3A_296 : i32
      %sign3A_298 = arith.extui %sign3A_297 : i1 to i32
      %sign3A_299 = arith.subi %sign3A_295, %sign3A_298 : i32
      %sign3A_300 = arith.constant 0 : i32
      %sign3A_301 = arith.cmpi sgt, %jit3A_291, %sign3A_300 : i32
      %sign3A_302 = arith.extui %sign3A_301 : i1 to i32
      %sign3A_303 = arith.constant 0 : i32
      %sign3A_304 = arith.cmpi slt, %jit3A_291, %sign3A_303 : i32
      %sign3A_305 = arith.extui %sign3A_304 : i1 to i32
      %sign3A_306 = arith.subi %sign3A_302, %sign3A_305 : i32
      %ne3A_307 = arith.cmpi ne, %sign3A_299, %sign3A_306 : i32
      %rem3A_308 = arith.remsi %scan3A_290, %jit3A_291 : i32
      %ne3A_309 = arith.constant 0 : i32
      %ne3A_310 = arith.cmpi ne, %rem3A_308, %ne3A_309 : i32
      %and3A_311 = arith.andi %ne3A_307, %ne3A_310 : i1
      %sub3A_312 = arith.constant 1 : i32
      %sub3A_313 = arith.subi %div3A_292, %sub3A_312 : i32
      %select_n3A_314 = arith.select %and3A_311, %sub3A_313, %div3A_292 : i32
      %jit3A_315 = arith.constant 8 : i32
      %eq3A_316 = arith.constant 0 : i32
      %eq3A_317 = arith.cmpi eq, %jit3A_315, %eq3A_316 : i32
      %jit3A_318 = arith.constant 1 : i32
      %select_n3A_319 = arith.select %eq3A_317, %jit3A_318, %jit3A_315 : i32
      %rem3A_320 = arith.remsi %scan3A_290, %select_n3A_319 : i32
      %ne3A_321 = arith.constant 0 : i32
      %ne3A_322 = arith.cmpi ne, %rem3A_320, %ne3A_321 : i32
      %lt3A_323 = arith.constant 0 : i32
      %lt3A_324 = arith.cmpi slt, %rem3A_320, %lt3A_323 : i32
      %lt3A_325 = arith.constant 0 : i32
      %lt3A_326 = arith.cmpi slt, %select_n3A_319, %lt3A_325 : i32
      %ne3A_327 = arith.xori %lt3A_324, %lt3A_326 : i1
      %and3A_328 = arith.andi %ne3A_327, %ne3A_322 : i1
      %add3A_329 = arith.addi %rem3A_320, %select_n3A_319 : i32
      %select_n3A_330 = arith.select %and3A_328, %add3A_329, %rem3A_320 : i32
      %mul3A_331 = arith.constant 16 : i32
      %mul3A_332 = arith.muli %select_n3A_330, %mul3A_331 : i32
      %get3A_333 = arith.constant 0 : i32
      %get3A_334 = arith.index_cast %get3A_333 : i32 to index
      %get3A_335 = arith.index_cast %select_n3A_314 : i32 to index
      %get3A_336 = arith.index_cast %mul3A_332 : i32 to index
      %get3A_337 = tpu.vector_load %arg6[%get3A_334, %get3A_335, %get3A_336] {strides = array<i32>} : memref<4x26x128xi32, #tpu.memory_space<vmem>>, vector<1x1x16xi32>,
      %get3A_338 = vector.shape_cast %get3A_337 : vector<1x1x16xi32> to vector<16xi32>
      %mul3A_339 = arith.constant 100000 : i32
      %mul3A_340 = arith.muli %select_n3A_314, %mul3A_339 : i32
      %add3A_341 = vector.broadcast %mul3A_340 : i32 to vector<16xi32>
      %add3A_342 = arith.addi %get3A_338, %add3A_341 : vector<16xi32>
      %mul3A_343 = arith.constant 16 : i32
      %mul3A_344 = arith.muli %scan3A_290, %mul3A_343 : i32
      %swap3A_345 = arith.index_cast %mul3A_344 : i32 to index
      %swap3A_346 = tpu.vector_load %arg7[%swap3A_345] {strides = array<i32>} : memref<3328xi32, #tpu.memory_space<vmem>>, vector<16xi32>,
      %swap3A_347 = vector.shape_cast %swap3A_346 : vector<16xi32> to vector<16xi32>
      %swap3A_348 = vector.shape_cast %add3A_342 : vector<16xi32> to vector<16xi32>
      tpu.vector_store %arg7[%swap3A_345], %swap3A_348 {strides = array<i32>} : memref<3328xi32, #tpu.memory_space<vmem>>, vector<16xi32>,
      %scan3A_349 = arith.constant 0 : i32
      %scan3A_350 = arith.constant 2 : i32
      %scan3A_351 = arith.addi %scan3A_240, %scan3A_350 : i32
      %jit3A_352 = arith.constant 8 : i32
      %div3A_353 = arith.divsi %scan3A_351, %jit3A_352 : i32
      %sign3A_354 = arith.constant 0 : i32
      %sign3A_355 = arith.cmpi sgt, %scan3A_351, %sign3A_354 : i32
      %sign3A_356 = arith.extui %sign3A_355 : i1 to i32
      %sign3A_357 = arith.constant 0 : i32
      %sign3A_358 = arith.cmpi slt, %scan3A_351, %sign3A_357 : i32
      %sign3A_359 = arith.extui %sign3A_358 : i1 to i32
      %sign3A_360 = arith.subi %sign3A_356, %sign3A_359 : i32
      %sign3A_361 = arith.constant 0 : i32
      %sign3A_362 = arith.cmpi sgt, %jit3A_352, %sign3A_361 : i32
      %sign3A_363 = arith.extui %sign3A_362 : i1 to i32
      %sign3A_364 = arith.constant 0 : i32
      %sign3A_365 = arith.cmpi slt, %jit3A_352, %sign3A_364 : i32
      %sign3A_366 = arith.extui %sign3A_365 : i1 to i32
      %sign3A_367 = arith.subi %sign3A_363, %sign3A_366 : i32
      %ne3A_368 = arith.cmpi ne, %sign3A_360, %sign3A_367 : i32
      %rem3A_369 = arith.remsi %scan3A_351, %jit3A_352 : i32
      %ne3A_370 = arith.constant 0 : i32
      %ne3A_371 = arith.cmpi ne, %rem3A_369, %ne3A_370 : i32
      %and3A_372 = arith.andi %ne3A_368, %ne3A_371 : i1
      %sub3A_373 = arith.constant 1 : i32
      %sub3A_374 = arith.subi %div3A_353, %sub3A_373 : i32
      %select_n3A_375 = arith.select %and3A_372, %sub3A_374, %div3A_353 : i32
      %jit3A_376 = arith.constant 8 : i32
      %eq3A_377 = arith.constant 0 : i32
      %eq3A_378 = arith.cmpi eq, %jit3A_376, %eq3A_377 : i32
      %jit3A_379 = arith.constant 1 : i32
      %select_n3A_380 = arith.select %eq3A_378, %jit3A_379, %jit3A_376 : i32
      %rem3A_381 = arith.remsi %scan3A_351, %select_n3A_380 : i32
      %ne3A_382 = arith.constant 0 : i32
      %ne3A_383 = arith.cmpi ne, %rem3A_381, %ne3A_382 : i32
      %lt3A_384 = arith.constant 0 : i32
      %lt3A_385 = arith.cmpi slt, %rem3A_381, %lt3A_384 : i32
      %lt3A_386 = arith.constant 0 : i32
      %lt3A_387 = arith.cmpi slt, %select_n3A_380, %lt3A_386 : i32
      %ne3A_388 = arith.xori %lt3A_385, %lt3A_387 : i1
      %and3A_389 = arith.andi %ne3A_388, %ne3A_383 : i1
      %add3A_390 = arith.addi %rem3A_381, %select_n3A_380 : i32
      %select_n3A_391 = arith.select %and3A_389, %add3A_390, %rem3A_381 : i32
      %mul3A_392 = arith.constant 16 : i32
      %mul3A_393 = arith.muli %select_n3A_391, %mul3A_392 : i32
      %get3A_394 = arith.constant 0 : i32
      %get3A_395 = arith.index_cast %get3A_394 : i32 to index
      %get3A_396 = arith.index_cast %select_n3A_375 : i32 to index
      %get3A_397 = arith.index_cast %mul3A_393 : i32 to index
      %get3A_398 = tpu.vector_load %arg6[%get3A_395, %get3A_396, %get3A_397] {strides = array<i32>} : memref<4x26x128xi32, #tpu.memory_space<vmem>>, vector<1x1x16xi32>,
      %get3A_399 = vector.shape_cast %get3A_398 : vector<1x1x16xi32> to vector<16xi32>
      %mul3A_400 = arith.constant 100000 : i32
      %mul3A_401 = arith.muli %select_n3A_375, %mul3A_400 : i32
      %add3A_402 = vector.broadcast %mul3A_401 : i32 to vector<16xi32>
      %add3A_403 = arith.addi %get3A_399, %add3A_402 : vector<16xi32>
      %mul3A_404 = arith.constant 16 : i32
      %mul3A_405 = arith.muli %scan3A_351, %mul3A_404 : i32
      %swap3A_406 = arith.index_cast %mul3A_405 : i32 to index
      %swap3A_407 = tpu.vector_load %arg7[%swap3A_406] {strides = array<i32>} : memref<3328xi32, #tpu.memory_space<vmem>>, vector<16xi32>,
      %swap3A_408 = vector.shape_cast %swap3A_407 : vector<16xi32> to vector<16xi32>
      %swap3A_409 = vector.shape_cast %add3A_403 : vector<16xi32> to vector<16xi32>
      tpu.vector_store %arg7[%swap3A_406], %swap3A_409 {strides = array<i32>} : memref<3328xi32, #tpu.memory_space<vmem>>, vector<16xi32>,
      %scan3A_410 = arith.constant 0 : i32
      %scan3A_411 = arith.constant 3 : i32
      %scan3A_412 = arith.addi %scan3A_240, %scan3A_411 : i32
      %jit3A_413 = arith.constant 8 : i32
      %div3A_414 = arith.divsi %scan3A_412, %jit3A_413 : i32
      %sign3A_415 = arith.constant 0 : i32
      %sign3A_416 = arith.cmpi sgt, %scan3A_412, %sign3A_415 : i32
      %sign3A_417 = arith.extui %sign3A_416 : i1 to i32
      %sign3A_418 = arith.constant 0 : i32
      %sign3A_419 = arith.cmpi slt, %scan3A_412, %sign3A_418 : i32
      %sign3A_420 = arith.extui %sign3A_419 : i1 to i32
      %sign3A_421 = arith.subi %sign3A_417, %sign3A_420 : i32
      %sign3A_422 = arith.constant 0 : i32
      %sign3A_423 = arith.cmpi sgt, %jit3A_413, %sign3A_422 : i32
      %sign3A_424 = arith.extui %sign3A_423 : i1 to i32
      %sign3A_425 = arith.constant 0 : i32
      %sign3A_426 = arith.cmpi slt, %jit3A_413, %sign3A_425 : i32
      %sign3A_427 = arith.extui %sign3A_426 : i1 to i32
      %sign3A_428 = arith.subi %sign3A_424, %sign3A_427 : i32
      %ne3A_429 = arith.cmpi ne, %sign3A_421, %sign3A_428 : i32
      %rem3A_430 = arith.remsi %scan3A_412, %jit3A_413 : i32
      %ne3A_431 = arith.constant 0 : i32
      %ne3A_432 = arith.cmpi ne, %rem3A_430, %ne3A_431 : i32
      %and3A_433 = arith.andi %ne3A_429, %ne3A_432 : i1
      %sub3A_434 = arith.constant 1 : i32
      %sub3A_435 = arith.subi %div3A_414, %sub3A_434 : i32
      %select_n3A_436 = arith.select %and3A_433, %sub3A_435, %div3A_414 : i32
      %jit3A_437 = arith.constant 8 : i32
      %eq3A_438 = arith.constant 0 : i32
      %eq3A_439 = arith.cmpi eq, %jit3A_437, %eq3A_438 : i32
      %jit3A_440 = arith.constant 1 : i32
      %select_n3A_441 = arith.select %eq3A_439, %jit3A_440, %jit3A_437 : i32
      %rem3A_442 = arith.remsi %scan3A_412, %select_n3A_441 : i32
      %ne3A_443 = arith.constant 0 : i32
      %ne3A_444 = arith.cmpi ne, %rem3A_442, %ne3A_443 : i32
      %lt3A_445 = arith.constant 0 : i32
      %lt3A_446 = arith.cmpi slt, %rem3A_442, %lt3A_445 : i32
      %lt3A_447 = arith.constant 0 : i32
      %lt3A_448 = arith.cmpi slt, %select_n3A_441, %lt3A_447 : i32
      %ne3A_449 = arith.xori %lt3A_446, %lt3A_448 : i1
      %and3A_450 = arith.andi %ne3A_449, %ne3A_444 : i1
      %add3A_451 = arith.addi %rem3A_442, %select_n3A_441 : i32
      %select_n3A_452 = arith.select %and3A_450, %add3A_451, %rem3A_442 : i32
      %mul3A_453 = arith.constant 16 : i32
      %mul3A_454 = arith.muli %select_n3A_452, %mul3A_453 : i32
      %get3A_455 = arith.constant 0 : i32
      %get3A_456 = arith.index_cast %get3A_455 : i32 to index
      %get3A_457 = arith.index_cast %select_n3A_436 : i32 to index
      %get3A_458 = arith.index_cast %mul3A_454 : i32 to index
      %get3A_459 = tpu.vector_load %arg6[%get3A_456, %get3A_457, %get3A_458] {strides = array<i32>} : memref<4x26x128xi32, #tpu.memory_space<vmem>>, vector<1x1x16xi32>,
      %get3A_460 = vector.shape_cast %get3A_459 : vector<1x1x16xi32> to vector<16xi32>
      %mul3A_461 = arith.constant 100000 : i32
      %mul3A_462 = arith.muli %select_n3A_436, %mul3A_461 : i32
      %add3A_463 = vector.broadcast %mul3A_462 : i32 to vector<16xi32>
      %add3A_464 = arith.addi %get3A_460, %add3A_463 : vector<16xi32>
      %mul3A_465 = arith.constant 16 : i32
      %mul3A_466 = arith.muli %scan3A_412, %mul3A_465 : i32
      %swap3A_467 = arith.index_cast %mul3A_466 : i32 to index
      %swap3A_468 = tpu.vector_load %arg7[%swap3A_467] {strides = array<i32>} : memref<3328xi32, #tpu.memory_space<vmem>>, vector<16xi32>,
      %swap3A_469 = vector.shape_cast %swap3A_468 : vector<16xi32> to vector<16xi32>
      %swap3A_470 = vector.shape_cast %add3A_464 : vector<16xi32> to vector<16xi32>
      tpu.vector_store %arg7[%swap3A_467], %swap3A_470 {strides = array<i32>} : memref<3328xi32, #tpu.memory_space<vmem>>, vector<16xi32>,
      %scan3A_471 = arith.constant 0 : i32
      scf.yield %scan3A_471 : i32
    }
    %scan3A_96 = arith.constant 208 : i32
    %dma_start3A_97 = arith.constant 0 : i32
    %dma_start3A_98 = arith.constant 0 : i32
    %dma_start3A_99 = tpu.memref_slice %arg4[%dma_start3A_98] : memref<2600960xf32, #tpu.memory_space<hbm>> -> memref<2600960xf32, #tpu.memory_space<hbm>>
    %dma_start3A_100 = tpu.memref_slice %arg18[%dma_start3A_97] : memref<4x!tpu.dma_semaphore, #tpu.memory_space<semaphore_mem>> -> memref<1x!tpu.dma_semaphore, #tpu.memory_space<semaphore_mem>>
    %dma_start3A_101 = tpu.memref_squeeze %dma_start3A_100 : memref<1x!tpu.dma_semaphore, #tpu.memory_space<semaphore_mem>> -> memref<!tpu.dma_semaphore, #tpu.memory_space<semaphore_mem>>
    tpu.enqueue_indirect_dma source(%dma_start3A_99 : memref<2600960xf32, #tpu.memory_space<hbm>>) target(%arg11 : memref<3328xf32, #tpu.memory_space<vmem>>) offsets(%arg7 : memref<3328xi32, #tpu.memory_space<vmem>>) semaphore(%dma_start3A_101 : memref<!tpu.dma_semaphore, #tpu.memory_space<semaphore_mem>>)
    %add3A_102 = arith.constant 128 : i32
    %add3A_103 = arith.addi %mul3A_2, %add3A_102 : i32
    %dma_wait3A_104 = arith.constant 1 : i32
    %dma_wait3A_105 = arith.constant 1 : i32
    %dma_wait3A_106 = arith.constant 0 : i32
    %dma_wait3A_107 = arith.constant 0 : i32
    %dma_wait3A_108 = tpu.memref_slice %arg6[%dma_wait3A_104, %dma_wait3A_106, %dma_wait3A_107] : memref<4x26x128xi32, #tpu.memory_space<vmem>> -> memref<1x26x128xi32, #tpu.memory_space<vmem>>
    %dma_wait3A_109 = tpu.memref_squeeze %dma_wait3A_108 : memref<1x26x128xi32, #tpu.memory_space<vmem>> -> memref<26x128xi32, #tpu.memory_space<vmem>>
    %dma_wait3A_110 = arith.constant 0 : i32
    %dma_wait3A_111 = tpu.memref_slice %arg2[%dma_wait3A_110, %add3A_103] : memref<26x16384xi32, #tpu.memory_space<hbm>> -> memref<26x128xi32, #tpu.memory_space<hbm>>
    %dma_wait3A_112 = tpu.memref_slice %arg17[%dma_wait3A_105] : memref<4x!tpu.dma_semaphore, #tpu.memory_space<semaphore_mem>> -> memref<1x!tpu.dma_semaphore, #tpu.memory_space<semaphore_mem>>
    %dma_wait3A_113 = tpu.memref_squeeze %dma_wait3A_112 : memref<1x!tpu.dma_semaphore, #tpu.memory_space<semaphore_mem>> -> memref<!tpu.dma_semaphore, #tpu.memory_space<semaphore_mem>>
    %dma_wait3A_114 = arith.constant 0 : i32
    %dma_wait3A_115 = arith.constant 0 : i32
    %dma_wait3A_116 = tpu.memref_slice %arg6[%dma_wait3A_104, %dma_wait3A_114, %dma_wait3A_115] : memref<4x26x128xi32, #tpu.memory_space<vmem>> -> memref<1x26x128xi32, #tpu.memory_space<vmem>>
    %dma_wait3A_117 = tpu.memref_squeeze %dma_wait3A_116 : memref<1x26x128xi32, #tpu.memory_space<vmem>> -> memref<26x128xi32, #tpu.memory_space<vmem>>
    %dma_wait3A_118 = arith.constant 0 : i32
    %dma_wait3A_119 = tpu.memref_slice %arg2[%dma_wait3A_118, %add3A_103] : memref<26x16384xi32, #tpu.memory_space<hbm>> -> memref<26x128xi32, #tpu.memory_space<hbm>>
    tpu.wait_dma2 semaphore(%dma_wait3A_113 : memref<!tpu.dma_semaphore, #tpu.memory_space<semaphore_mem>>) src(%dma_wait3A_119 : memref<26x128xi32, #tpu.memory_space<hbm>>) dst(%dma_wait3A_117 : memref<26x128xi32, #tpu.memory_space<vmem>>)
    %scan3A_120 = arith.constant 0 : i32
    %scan3A_121 = arith.constant 0 : i32
    %scan3A_122 = arith.constant 208 : i32
    %scan3A_123 = arith.addi %scan3A_121, %scan3A_122 : i32
    %scan3A_124 = arith.constant 4 : i32
    %scan3A_125 = scf.for %scan3A_240 = %scan3A_121 to %scan3A_123 step %scan3A_124 iter_args(%scan3A_241 = %scan3A_120) -> (i32)  : i32 {
      %jit3A = arith.constant 8 : i32
      %div3A = arith.divsi %scan3A_240, %jit3A : i32
      %sign3A = arith.constant 0 : i32
      %sign3A_242 = arith.cmpi sgt, %scan3A_240, %sign3A : i32
      %sign3A_243 = arith.extui %sign3A_242 : i1 to i32
      %sign3A_244 = arith.constant 0 : i32
      %sign3A_245 = arith.cmpi slt, %scan3A_240, %sign3A_244 : i32
      %sign3A_246 = arith.extui %sign3A_245 : i1 to i32
      %sign3A_247 = arith.subi %sign3A_243, %sign3A_246 : i32
      %sign3A_248 = arith.constant 0 : i32
      %sign3A_249 = arith.cmpi sgt, %jit3A, %sign3A_248 : i32
      %sign3A_250 = arith.extui %sign3A_249 : i1 to i32
      %sign3A_251 = arith.constant 0 : i32
      %sign3A_252 = arith.cmpi slt, %jit3A, %sign3A_251 : i32
      %sign3A_253 = arith.extui %sign3A_252 : i1 to i32
      %sign3A_254 = arith.subi %sign3A_250, %sign3A_253 : i32
      %ne3A = arith.cmpi ne, %sign3A_247, %sign3A_254 : i32
      %rem3A = arith.remsi %scan3A_240, %jit3A : i32
      %ne3A_255 = arith.constant 0 : i32
      %ne3A_256 = arith.cmpi ne, %rem3A, %ne3A_255 : i32
      %and3A = arith.andi %ne3A, %ne3A_256 : i1
      %sub3A = arith.constant 1 : i32
      %sub3A_257 = arith.subi %div3A, %sub3A : i32
      %select_n3A = arith.select %and3A, %sub3A_257, %div3A : i32
      %jit3A_258 = arith.constant 8 : i32
      %eq3A = arith.constant 0 : i32
      %eq3A_259 = arith.cmpi eq, %jit3A_258, %eq3A : i32
      %jit3A_260 = arith.constant 1 : i32
      %select_n3A_261 = arith.select %eq3A_259, %jit3A_260, %jit3A_258 : i32
      %rem3A_262 = arith.remsi %scan3A_240, %select_n3A_261 : i32
      %ne3A_263 = arith.constant 0 : i32
      %ne3A_264 = arith.cmpi ne, %rem3A_262, %ne3A_263 : i32
      %lt3A = arith.constant 0 : i32
      %lt3A_265 = arith.cmpi slt, %rem3A_262, %lt3A : i32
      %lt3A_266 = arith.constant 0 : i32
      %lt3A_267 = arith.cmpi slt, %select_n3A_261, %lt3A_266 : i32
      %ne3A_268 = arith.xori %lt3A_265, %lt3A_267 : i1
      %and3A_269 = arith.andi %ne3A_268, %ne3A_264 : i1
      %add3A_270 = arith.addi %rem3A_262, %select_n3A_261 : i32
      %select_n3A_271 = arith.select %and3A_269, %add3A_270, %rem3A_262 : i32
      %mul3A_272 = arith.constant 16 : i32
      %mul3A_273 = arith.muli %select_n3A_271, %mul3A_272 : i32
      %get3A = arith.constant 1 : i32
      %get3A_274 = arith.index_cast %get3A : i32 to index
      %get3A_275 = arith.index_cast %select_n3A : i32 to index
      %get3A_276 = arith.index_cast %mul3A_273 : i32 to index
      %get3A_277 = tpu.vector_load %arg6[%get3A_274, %get3A_275, %get3A_276] {strides = array<i32>} : memref<4x26x128xi32, #tpu.memory_space<vmem>>, vector<1x1x16xi32>,
      %get3A_278 = vector.shape_cast %get3A_277 : vector<1x1x16xi32> to vector<16xi32>
      %mul3A_279 = arith.constant 100000 : i32
      %mul3A_280 = arith.muli %select_n3A, %mul3A_279 : i32
      %add3A_281 = vector.broadcast %mul3A_280 : i32 to vector<16xi32>
      %add3A_282 = arith.addi %get3A_278, %add3A_281 : vector<16xi32>
      %mul3A_283 = arith.constant 16 : i32
      %mul3A_284 = arith.muli %scan3A_240, %mul3A_283 : i32
      %swap3A = arith.index_cast %mul3A_284 : i32 to index
      %swap3A_285 = tpu.vector_load %arg8[%swap3A] {strides = array<i32>} : memref<3328xi32, #tpu.memory_space<vmem>>, vector<16xi32>,
      %swap3A_286 = vector.shape_cast %swap3A_285 : vector<16xi32> to vector<16xi32>
      %swap3A_287 = vector.shape_cast %add3A_282 : vector<16xi32> to vector<16xi32>
      tpu.vector_store %arg8[%swap3A], %swap3A_287 {strides = array<i32>} : memref<3328xi32, #tpu.memory_space<vmem>>, vector<16xi32>,
      %scan3A_288 = arith.constant 0 : i32
      %scan3A_289 = arith.constant 1 : i32
      %scan3A_290 = arith.addi %scan3A_240, %scan3A_289 : i32
      %jit3A_291 = arith.constant 8 : i32
      %div3A_292 = arith.divsi %scan3A_290, %jit3A_291 : i32
      %sign3A_293 = arith.constant 0 : i32
      %sign3A_294 = arith.cmpi sgt, %scan3A_290, %sign3A_293 : i32
      %sign3A_295 = arith.extui %sign3A_294 : i1 to i32
      %sign3A_296 = arith.constant 0 : i32
      %sign3A_297 = arith.cmpi slt, %scan3A_290, %sign3A_296 : i32
      %sign3A_298 = arith.extui %sign3A_297 : i1 to i32
      %sign3A_299 = arith.subi %sign3A_295, %sign3A_298 : i32
      %sign3A_300 = arith.constant 0 : i32
      %sign3A_301 = arith.cmpi sgt, %jit3A_291, %sign3A_300 : i32
      %sign3A_302 = arith.extui %sign3A_301 : i1 to i32
      %sign3A_303 = arith.constant 0 : i32
      %sign3A_304 = arith.cmpi slt, %jit3A_291, %sign3A_303 : i32
      %sign3A_305 = arith.extui %sign3A_304 : i1 to i32
      %sign3A_306 = arith.subi %sign3A_302, %sign3A_305 : i32
      %ne3A_307 = arith.cmpi ne, %sign3A_299, %sign3A_306 : i32
      %rem3A_308 = arith.remsi %scan3A_290, %jit3A_291 : i32
      %ne3A_309 = arith.constant 0 : i32
      %ne3A_310 = arith.cmpi ne, %rem3A_308, %ne3A_309 : i32
      %and3A_311 = arith.andi %ne3A_307, %ne3A_310 : i1
      %sub3A_312 = arith.constant 1 : i32
      %sub3A_313 = arith.subi %div3A_292, %sub3A_312 : i32
      %select_n3A_314 = arith.select %and3A_311, %sub3A_313, %div3A_292 : i32
      %jit3A_315 = arith.constant 8 : i32
      %eq3A_316 = arith.constant 0 : i32
      %eq3A_317 = arith.cmpi eq, %jit3A_315, %eq3A_316 : i32
      %jit3A_318 = arith.constant 1 : i32
      %select_n3A_319 = arith.select %eq3A_317, %jit3A_318, %jit3A_315 : i32
      %rem3A_320 = arith.remsi %scan3A_290, %select_n3A_319 : i32
      %ne3A_321 = arith.constant 0 : i32
      %ne3A_322 = arith.cmpi ne, %rem3A_320, %ne3A_321 : i32
      %lt3A_323 = arith.constant 0 : i32
      %lt3A_324 = arith.cmpi slt, %rem3A_320, %lt3A_323 : i32
      %lt3A_325 = arith.constant 0 : i32
      %lt3A_326 = arith.cmpi slt, %select_n3A_319, %lt3A_325 : i32
      %ne3A_327 = arith.xori %lt3A_324, %lt3A_326 : i1
      %and3A_328 = arith.andi %ne3A_327, %ne3A_322 : i1
      %add3A_329 = arith.addi %rem3A_320, %select_n3A_319 : i32
      %select_n3A_330 = arith.select %and3A_328, %add3A_329, %rem3A_320 : i32
      %mul3A_331 = arith.constant 16 : i32
      %mul3A_332 = arith.muli %select_n3A_330, %mul3A_331 : i32
      %get3A_333 = arith.constant 1 : i32
      %get3A_334 = arith.index_cast %get3A_333 : i32 to index
      %get3A_335 = arith.index_cast %select_n3A_314 : i32 to index
      %get3A_336 = arith.index_cast %mul3A_332 : i32 to index
      %get3A_337 = tpu.vector_load %arg6[%get3A_334, %get3A_335, %get3A_336] {strides = array<i32>} : memref<4x26x128xi32, #tpu.memory_space<vmem>>, vector<1x1x16xi32>,
      %get3A_338 = vector.shape_cast %get3A_337 : vector<1x1x16xi32> to vector<16xi32>
      %mul3A_339 = arith.constant 100000 : i32
      %mul3A_340 = arith.muli %select_n3A_314, %mul3A_339 : i32
      %add3A_341 = vector.broadcast %mul3A_340 : i32 to vector<16xi32>
      %add3A_342 = arith.addi %get3A_338, %add3A_341 : vector<16xi32>
      %mul3A_343 = arith.constant 16 : i32
      %mul3A_344 = arith.muli %scan3A_290, %mul3A_343 : i32
      %swap3A_345 = arith.index_cast %mul3A_344 : i32 to index
      %swap3A_346 = tpu.vector_load %arg8[%swap3A_345] {strides = array<i32>} : memref<3328xi32, #tpu.memory_space<vmem>>, vector<16xi32>,
      %swap3A_347 = vector.shape_cast %swap3A_346 : vector<16xi32> to vector<16xi32>
      %swap3A_348 = vector.shape_cast %add3A_342 : vector<16xi32> to vector<16xi32>
      tpu.vector_store %arg8[%swap3A_345], %swap3A_348 {strides = array<i32>} : memref<3328xi32, #tpu.memory_space<vmem>>, vector<16xi32>,
      %scan3A_349 = arith.constant 0 : i32
      %scan3A_350 = arith.constant 2 : i32
      %scan3A_351 = arith.addi %scan3A_240, %scan3A_350 : i32
      %jit3A_352 = arith.constant 8 : i32
      %div3A_353 = arith.divsi %scan3A_351, %jit3A_352 : i32
      %sign3A_354 = arith.constant 0 : i32
      %sign3A_355 = arith.cmpi sgt, %scan3A_351, %sign3A_354 : i32
      %sign3A_356 = arith.extui %sign3A_355 : i1 to i32
      %sign3A_357 = arith.constant 0 : i32
      %sign3A_358 = arith.cmpi slt, %scan3A_351, %sign3A_357 : i32
      %sign3A_359 = arith.extui %sign3A_358 : i1 to i32
      %sign3A_360 = arith.subi %sign3A_356, %sign3A_359 : i32
      %sign3A_361 = arith.constant 0 : i32
      %sign3A_362 = arith.cmpi sgt, %jit3A_352, %sign3A_361 : i32
      %sign3A_363 = arith.extui %sign3A_362 : i1 to i32
      %sign3A_364 = arith.constant 0 : i32
      %sign3A_365 = arith.cmpi slt, %jit3A_352, %sign3A_364 : i32
      %sign3A_366 = arith.extui %sign3A_365 : i1 to i32
      %sign3A_367 = arith.subi %sign3A_363, %sign3A_366 : i32
      %ne3A_368 = arith.cmpi ne, %sign3A_360, %sign3A_367 : i32
      %rem3A_369 = arith.remsi %scan3A_351, %jit3A_352 : i32
      %ne3A_370 = arith.constant 0 : i32
      %ne3A_371 = arith.cmpi ne, %rem3A_369, %ne3A_370 : i32
      %and3A_372 = arith.andi %ne3A_368, %ne3A_371 : i1
      %sub3A_373 = arith.constant 1 : i32
      %sub3A_374 = arith.subi %div3A_353, %sub3A_373 : i32
      %select_n3A_375 = arith.select %and3A_372, %sub3A_374, %div3A_353 : i32
      %jit3A_376 = arith.constant 8 : i32
      %eq3A_377 = arith.constant 0 : i32
      %eq3A_378 = arith.cmpi eq, %jit3A_376, %eq3A_377 : i32
      %jit3A_379 = arith.constant 1 : i32
      %select_n3A_380 = arith.select %eq3A_378, %jit3A_379, %jit3A_376 : i32
      %rem3A_381 = arith.remsi %scan3A_351, %select_n3A_380 : i32
      %ne3A_382 = arith.constant 0 : i32
      %ne3A_383 = arith.cmpi ne, %rem3A_381, %ne3A_382 : i32
      %lt3A_384 = arith.constant 0 : i32
      %lt3A_385 = arith.cmpi slt, %rem3A_381, %lt3A_384 : i32
      %lt3A_386 = arith.constant 0 : i32
      %lt3A_387 = arith.cmpi slt, %select_n3A_380, %lt3A_386 : i32
      %ne3A_388 = arith.xori %lt3A_385, %lt3A_387 : i1
      %and3A_389 = arith.andi %ne3A_388, %ne3A_383 : i1
      %add3A_390 = arith.addi %rem3A_381, %select_n3A_380 : i32
      %select_n3A_391 = arith.select %and3A_389, %add3A_390, %rem3A_381 : i32
      %mul3A_392 = arith.constant 16 : i32
      %mul3A_393 = arith.muli %select_n3A_391, %mul3A_392 : i32
      %get3A_394 = arith.constant 1 : i32
      %get3A_395 = arith.index_cast %get3A_394 : i32 to index
      %get3A_396 = arith.index_cast %select_n3A_375 : i32 to index
      %get3A_397 = arith.index_cast %mul3A_393 : i32 to index
      %get3A_398 = tpu.vector_load %arg6[%get3A_395, %get3A_396, %get3A_397] {strides = array<i32>} : memref<4x26x128xi32, #tpu.memory_space<vmem>>, vector<1x1x16xi32>,
      %get3A_399 = vector.shape_cast %get3A_398 : vector<1x1x16xi32> to vector<16xi32>
      %mul3A_400 = arith.constant 100000 : i32
      %mul3A_401 = arith.muli %select_n3A_375, %mul3A_400 : i32
      %add3A_402 = vector.broadcast %mul3A_401 : i32 to vector<16xi32>
      %add3A_403 = arith.addi %get3A_399, %add3A_402 : vector<16xi32>
      %mul3A_404 = arith.constant 16 : i32
      %mul3A_405 = arith.muli %scan3A_351, %mul3A_404 : i32
      %swap3A_406 = arith.index_cast %mul3A_405 : i32 to index
      %swap3A_407 = tpu.vector_load %arg8[%swap3A_406] {strides = array<i32>} : memref<3328xi32, #tpu.memory_space<vmem>>, vector<16xi32>,
      %swap3A_408 = vector.shape_cast %swap3A_407 : vector<16xi32> to vector<16xi32>
      %swap3A_409 = vector.shape_cast %add3A_403 : vector<16xi32> to vector<16xi32>
      tpu.vector_store %arg8[%swap3A_406], %swap3A_409 {strides = array<i32>} : memref<3328xi32, #tpu.memory_space<vmem>>, vector<16xi32>,
      %scan3A_410 = arith.constant 0 : i32
      %scan3A_411 = arith.constant 3 : i32
      %scan3A_412 = arith.addi %scan3A_240, %scan3A_411 : i32
      %jit3A_413 = arith.constant 8 : i32
      %div3A_414 = arith.divsi %scan3A_412, %jit3A_413 : i32
      %sign3A_415 = arith.constant 0 : i32
      %sign3A_416 = arith.cmpi sgt, %scan3A_412, %sign3A_415 : i32
      %sign3A_417 = arith.extui %sign3A_416 : i1 to i32
      %sign3A_418 = arith.constant 0 : i32
      %sign3A_419 = arith.cmpi slt, %scan3A_412, %sign3A_418 : i32
      %sign3A_420 = arith.extui %sign3A_419 : i1 to i32
      %sign3A_421 = arith.subi %sign3A_417, %sign3A_420 : i32
      %sign3A_422 = arith.constant 0 : i32
      %sign3A_423 = arith.cmpi sgt, %jit3A_413, %sign3A_422 : i32
      %sign3A_424 = arith.extui %sign3A_423 : i1 to i32
      %sign3A_425 = arith.constant 0 : i32
      %sign3A_426 = arith.cmpi slt, %jit3A_413, %sign3A_425 : i32
      %sign3A_427 = arith.extui %sign3A_426 : i1 to i32
      %sign3A_428 = arith.subi %sign3A_424, %sign3A_427 : i32
      %ne3A_429 = arith.cmpi ne, %sign3A_421, %sign3A_428 : i32
      %rem3A_430 = arith.remsi %scan3A_412, %jit3A_413 : i32
      %ne3A_431 = arith.constant 0 : i32
      %ne3A_432 = arith.cmpi ne, %rem3A_430, %ne3A_431 : i32
      %and3A_433 = arith.andi %ne3A_429, %ne3A_432 : i1
      %sub3A_434 = arith.constant 1 : i32
      %sub3A_435 = arith.subi %div3A_414, %sub3A_434 : i32
      %select_n3A_436 = arith.select %and3A_433, %sub3A_435, %div3A_414 : i32
      %jit3A_437 = arith.constant 8 : i32
      %eq3A_438 = arith.constant 0 : i32
      %eq3A_439 = arith.cmpi eq, %jit3A_437, %eq3A_438 : i32
      %jit3A_440 = arith.constant 1 : i32
      %select_n3A_441 = arith.select %eq3A_439, %jit3A_440, %jit3A_437 : i32
      %rem3A_442 = arith.remsi %scan3A_412, %select_n3A_441 : i32
      %ne3A_443 = arith.constant 0 : i32
      %ne3A_444 = arith.cmpi ne, %rem3A_442, %ne3A_443 : i32
      %lt3A_445 = arith.constant 0 : i32
      %lt3A_446 = arith.cmpi slt, %rem3A_442, %lt3A_445 : i32
      %lt3A_447 = arith.constant 0 : i32
      %lt3A_448 = arith.cmpi slt, %select_n3A_441, %lt3A_447 : i32
      %ne3A_449 = arith.xori %lt3A_446, %lt3A_448 : i1
      %and3A_450 = arith.andi %ne3A_449, %ne3A_444 : i1
      %add3A_451 = arith.addi %rem3A_442, %select_n3A_441 : i32
      %select_n3A_452 = arith.select %and3A_450, %add3A_451, %rem3A_442 : i32
      %mul3A_453 = arith.constant 16 : i32
      %mul3A_454 = arith.muli %select_n3A_452, %mul3A_453 : i32
      %get3A_455 = arith.constant 1 : i32
      %get3A_456 = arith.index_cast %get3A_455 : i32 to index
      %get3A_457 = arith.index_cast %select_n3A_436 : i32 to index
      %get3A_458 = arith.index_cast %mul3A_454 : i32 to index
      %get3A_459 = tpu.vector_load %arg6[%get3A_456, %get3A_457, %get3A_458] {strides = array<i32>} : memref<4x26x128xi32, #tpu.memory_space<vmem>>, vector<1x1x16xi32>,
      %get3A_460 = vector.shape_cast %get3A_459 : vector<1x1x16xi32> to vector<16xi32>
      %mul3A_461 = arith.constant 100000 : i32
      %mul3A_462 = arith.muli %select_n3A_436, %mul3A_461 : i32
      %add3A_463 = vector.broadcast %mul3A_462 : i32 to vector<16xi32>
      %add3A_464 = arith.addi %get3A_460, %add3A_463 : vector<16xi32>
      %mul3A_465 = arith.constant 16 : i32
      %mul3A_466 = arith.muli %scan3A_412, %mul3A_465 : i32
      %swap3A_467 = arith.index_cast %mul3A_466 : i32 to index
      %swap3A_468 = tpu.vector_load %arg8[%swap3A_467] {strides = array<i32>} : memref<3328xi32, #tpu.memory_space<vmem>>, vector<16xi32>,
      %swap3A_469 = vector.shape_cast %swap3A_468 : vector<16xi32> to vector<16xi32>
      %swap3A_470 = vector.shape_cast %add3A_464 : vector<16xi32> to vector<16xi32>
      tpu.vector_store %arg8[%swap3A_467], %swap3A_470 {strides = array<i32>} : memref<3328xi32, #tpu.memory_space<vmem>>, vector<16xi32>,
      %scan3A_471 = arith.constant 0 : i32
      scf.yield %scan3A_471 : i32
    }
    %scan3A_126 = arith.constant 208 : i32
    %dma_start3A_127 = arith.constant 1 : i32
    %dma_start3A_128 = arith.constant 0 : i32
    %dma_start3A_129 = tpu.memref_slice %arg4[%dma_start3A_128] : memref<2600960xf32, #tpu.memory_space<hbm>> -> memref<2600960xf32, #tpu.memory_space<hbm>>
    %dma_start3A_130 = tpu.memref_slice %arg18[%dma_start3A_127] : memref<4x!tpu.dma_semaphore, #tpu.memory_space<semaphore_mem>> -> memref<1x!tpu.dma_semaphore, #tpu.memory_space<semaphore_mem>>
    %dma_start3A_131 = tpu.memref_squeeze %dma_start3A_130 : memref<1x!tpu.dma_semaphore, #tpu.memory_space<semaphore_mem>> -> memref<!tpu.dma_semaphore, #tpu.memory_space<semaphore_mem>>
    tpu.enqueue_indirect_dma source(%dma_start3A_129 : memref<2600960xf32, #tpu.memory_space<hbm>>) target(%arg12 : memref<3328xf32, #tpu.memory_space<vmem>>) offsets(%arg8 : memref<3328xi32, #tpu.memory_space<vmem>>) semaphore(%dma_start3A_131 : memref<!tpu.dma_semaphore, #tpu.memory_space<semaphore_mem>>)
    %add3A_132 = arith.constant 256 : i32
    %add3A_133 = arith.addi %mul3A_2, %add3A_132 : i32
    %dma_wait3A_134 = arith.constant 2 : i32
    %dma_wait3A_135 = arith.constant 2 : i32
    %dma_wait3A_136 = arith.constant 0 : i32
    %dma_wait3A_137 = arith.constant 0 : i32
    %dma_wait3A_138 = tpu.memref_slice %arg6[%dma_wait3A_134, %dma_wait3A_136, %dma_wait3A_137] : memref<4x26x128xi32, #tpu.memory_space<vmem>> -> memref<1x26x128xi32, #tpu.memory_space<vmem>>
    %dma_wait3A_139 = tpu.memref_squeeze %dma_wait3A_138 : memref<1x26x128xi32, #tpu.memory_space<vmem>> -> memref<26x128xi32, #tpu.memory_space<vmem>>
    %dma_wait3A_140 = arith.constant 0 : i32
    %dma_wait3A_141 = tpu.memref_slice %arg2[%dma_wait3A_140, %add3A_133] : memref<26x16384xi32, #tpu.memory_space<hbm>> -> memref<26x128xi32, #tpu.memory_space<hbm>>
    %dma_wait3A_142 = tpu.memref_slice %arg17[%dma_wait3A_135] : memref<4x!tpu.dma_semaphore, #tpu.memory_space<semaphore_mem>> -> memref<1x!tpu.dma_semaphore, #tpu.memory_space<semaphore_mem>>
    %dma_wait3A_143 = tpu.memref_squeeze %dma_wait3A_142 : memref<1x!tpu.dma_semaphore, #tpu.memory_space<semaphore_mem>> -> memref<!tpu.dma_semaphore, #tpu.memory_space<semaphore_mem>>
    %dma_wait3A_144 = arith.constant 0 : i32
    %dma_wait3A_145 = arith.constant 0 : i32
    %dma_wait3A_146 = tpu.memref_slice %arg6[%dma_wait3A_134, %dma_wait3A_144, %dma_wait3A_145] : memref<4x26x128xi32, #tpu.memory_space<vmem>> -> memref<1x26x128xi32, #tpu.memory_space<vmem>>
    %dma_wait3A_147 = tpu.memref_squeeze %dma_wait3A_146 : memref<1x26x128xi32, #tpu.memory_space<vmem>> -> memref<26x128xi32, #tpu.memory_space<vmem>>
    %dma_wait3A_148 = arith.constant 0 : i32
    %dma_wait3A_149 = tpu.memref_slice %arg2[%dma_wait3A_148, %add3A_133] : memref<26x16384xi32, #tpu.memory_space<hbm>> -> memref<26x128xi32, #tpu.memory_space<hbm>>
    tpu.wait_dma2 semaphore(%dma_wait3A_143 : memref<!tpu.dma_semaphore, #tpu.memory_space<semaphore_mem>>) src(%dma_wait3A_149 : memref<26x128xi32, #tpu.memory_space<hbm>>) dst(%dma_wait3A_147 : memref<26x128xi32, #tpu.memory_space<vmem>>)
    %scan3A_150 = arith.constant 0 : i32
    %scan3A_151 = arith.constant 0 : i32
    %scan3A_152 = arith.constant 208 : i32
    %scan3A_153 = arith.addi %scan3A_151, %scan3A_152 : i32
    %scan3A_154 = arith.constant 4 : i32
    %scan3A_155 = scf.for %scan3A_240 = %scan3A_151 to %scan3A_153 step %scan3A_154 iter_args(%scan3A_241 = %scan3A_150) -> (i32)  : i32 {
      %jit3A = arith.constant 8 : i32
      %div3A = arith.divsi %scan3A_240, %jit3A : i32
      %sign3A = arith.constant 0 : i32
      %sign3A_242 = arith.cmpi sgt, %scan3A_240, %sign3A : i32
      %sign3A_243 = arith.extui %sign3A_242 : i1 to i32
      %sign3A_244 = arith.constant 0 : i32
      %sign3A_245 = arith.cmpi slt, %scan3A_240, %sign3A_244 : i32
      %sign3A_246 = arith.extui %sign3A_245 : i1 to i32
      %sign3A_247 = arith.subi %sign3A_243, %sign3A_246 : i32
      %sign3A_248 = arith.constant 0 : i32
      %sign3A_249 = arith.cmpi sgt, %jit3A, %sign3A_248 : i32
      %sign3A_250 = arith.extui %sign3A_249 : i1 to i32
      %sign3A_251 = arith.constant 0 : i32
      %sign3A_252 = arith.cmpi slt, %jit3A, %sign3A_251 : i32
      %sign3A_253 = arith.extui %sign3A_252 : i1 to i32
      %sign3A_254 = arith.subi %sign3A_250, %sign3A_253 : i32
      %ne3A = arith.cmpi ne, %sign3A_247, %sign3A_254 : i32
      %rem3A = arith.remsi %scan3A_240, %jit3A : i32
      %ne3A_255 = arith.constant 0 : i32
      %ne3A_256 = arith.cmpi ne, %rem3A, %ne3A_255 : i32
      %and3A = arith.andi %ne3A, %ne3A_256 : i1
      %sub3A = arith.constant 1 : i32
      %sub3A_257 = arith.subi %div3A, %sub3A : i32
      %select_n3A = arith.select %and3A, %sub3A_257, %div3A : i32
      %jit3A_258 = arith.constant 8 : i32
      %eq3A = arith.constant 0 : i32
      %eq3A_259 = arith.cmpi eq, %jit3A_258, %eq3A : i32
      %jit3A_260 = arith.constant 1 : i32
      %select_n3A_261 = arith.select %eq3A_259, %jit3A_260, %jit3A_258 : i32
      %rem3A_262 = arith.remsi %scan3A_240, %select_n3A_261 : i32
      %ne3A_263 = arith.constant 0 : i32
      %ne3A_264 = arith.cmpi ne, %rem3A_262, %ne3A_263 : i32
      %lt3A = arith.constant 0 : i32
      %lt3A_265 = arith.cmpi slt, %rem3A_262, %lt3A : i32
      %lt3A_266 = arith.constant 0 : i32
      %lt3A_267 = arith.cmpi slt, %select_n3A_261, %lt3A_266 : i32
      %ne3A_268 = arith.xori %lt3A_265, %lt3A_267 : i1
      %and3A_269 = arith.andi %ne3A_268, %ne3A_264 : i1
      %add3A_270 = arith.addi %rem3A_262, %select_n3A_261 : i32
      %select_n3A_271 = arith.select %and3A_269, %add3A_270, %rem3A_262 : i32
      %mul3A_272 = arith.constant 16 : i32
      %mul3A_273 = arith.muli %select_n3A_271, %mul3A_272 : i32
      %get3A = arith.constant 2 : i32
      %get3A_274 = arith.index_cast %get3A : i32 to index
      %get3A_275 = arith.index_cast %select_n3A : i32 to index
      %get3A_276 = arith.index_cast %mul3A_273 : i32 to index
      %get3A_277 = tpu.vector_load %arg6[%get3A_274, %get3A_275, %get3A_276] {strides = array<i32>} : memref<4x26x128xi32, #tpu.memory_space<vmem>>, vector<1x1x16xi32>,
      %get3A_278 = vector.shape_cast %get3A_277 : vector<1x1x16xi32> to vector<16xi32>
      %mul3A_279 = arith.constant 100000 : i32
      %mul3A_280 = arith.muli %select_n3A, %mul3A_279 : i32
      %add3A_281 = vector.broadcast %mul3A_280 : i32 to vector<16xi32>
      %add3A_282 = arith.addi %get3A_278, %add3A_281 : vector<16xi32>
      %mul3A_283 = arith.constant 16 : i32
      %mul3A_284 = arith.muli %scan3A_240, %mul3A_283 : i32
      %swap3A = arith.index_cast %mul3A_284 : i32 to index
      %swap3A_285 = tpu.vector_load %arg9[%swap3A] {strides = array<i32>} : memref<3328xi32, #tpu.memory_space<vmem>>, vector<16xi32>,
      %swap3A_286 = vector.shape_cast %swap3A_285 : vector<16xi32> to vector<16xi32>
      %swap3A_287 = vector.shape_cast %add3A_282 : vector<16xi32> to vector<16xi32>
      tpu.vector_store %arg9[%swap3A], %swap3A_287 {strides = array<i32>} : memref<3328xi32, #tpu.memory_space<vmem>>, vector<16xi32>,
      %scan3A_288 = arith.constant 0 : i32
      %scan3A_289 = arith.constant 1 : i32
      %scan3A_290 = arith.addi %scan3A_240, %scan3A_289 : i32
      %jit3A_291 = arith.constant 8 : i32
      %div3A_292 = arith.divsi %scan3A_290, %jit3A_291 : i32
      %sign3A_293 = arith.constant 0 : i32
      %sign3A_294 = arith.cmpi sgt, %scan3A_290, %sign3A_293 : i32
      %sign3A_295 = arith.extui %sign3A_294 : i1 to i32
      %sign3A_296 = arith.constant 0 : i32
      %sign3A_297 = arith.cmpi slt, %scan3A_290, %sign3A_296 : i32
      %sign3A_298 = arith.extui %sign3A_297 : i1 to i32
      %sign3A_299 = arith.subi %sign3A_295, %sign3A_298 : i32
      %sign3A_300 = arith.constant 0 : i32
      %sign3A_301 = arith.cmpi sgt, %jit3A_291, %sign3A_300 : i32
      %sign3A_302 = arith.extui %sign3A_301 : i1 to i32
      %sign3A_303 = arith.constant 0 : i32
      %sign3A_304 = arith.cmpi slt, %jit3A_291, %sign3A_303 : i32
      %sign3A_305 = arith.extui %sign3A_304 : i1 to i32
      %sign3A_306 = arith.subi %sign3A_302, %sign3A_305 : i32
      %ne3A_307 = arith.cmpi ne, %sign3A_299, %sign3A_306 : i32
      %rem3A_308 = arith.remsi %scan3A_290, %jit3A_291 : i32
      %ne3A_309 = arith.constant 0 : i32
      %ne3A_310 = arith.cmpi ne, %rem3A_308, %ne3A_309 : i32
      %and3A_311 = arith.andi %ne3A_307, %ne3A_310 : i1
      %sub3A_312 = arith.constant 1 : i32
      %sub3A_313 = arith.subi %div3A_292, %sub3A_312 : i32
      %select_n3A_314 = arith.select %and3A_311, %sub3A_313, %div3A_292 : i32
      %jit3A_315 = arith.constant 8 : i32
      %eq3A_316 = arith.constant 0 : i32
      %eq3A_317 = arith.cmpi eq, %jit3A_315, %eq3A_316 : i32
      %jit3A_318 = arith.constant 1 : i32
      %select_n3A_319 = arith.select %eq3A_317, %jit3A_318, %jit3A_315 : i32
      %rem3A_320 = arith.remsi %scan3A_290, %select_n3A_319 : i32
      %ne3A_321 = arith.constant 0 : i32
      %ne3A_322 = arith.cmpi ne, %rem3A_320, %ne3A_321 : i32
      %lt3A_323 = arith.constant 0 : i32
      %lt3A_324 = arith.cmpi slt, %rem3A_320, %lt3A_323 : i32
      %lt3A_325 = arith.constant 0 : i32
      %lt3A_326 = arith.cmpi slt, %select_n3A_319, %lt3A_325 : i32
      %ne3A_327 = arith.xori %lt3A_324, %lt3A_326 : i1
      %and3A_328 = arith.andi %ne3A_327, %ne3A_322 : i1
      %add3A_329 = arith.addi %rem3A_320, %select_n3A_319 : i32
      %select_n3A_330 = arith.select %and3A_328, %add3A_329, %rem3A_320 : i32
      %mul3A_331 = arith.constant 16 : i32
      %mul3A_332 = arith.muli %select_n3A_330, %mul3A_331 : i32
      %get3A_333 = arith.constant 2 : i32
      %get3A_334 = arith.index_cast %get3A_333 : i32 to index
      %get3A_335 = arith.index_cast %select_n3A_314 : i32 to index
      %get3A_336 = arith.index_cast %mul3A_332 : i32 to index
      %get3A_337 = tpu.vector_load %arg6[%get3A_334, %get3A_335, %get3A_336] {strides = array<i32>} : memref<4x26x128xi32, #tpu.memory_space<vmem>>, vector<1x1x16xi32>,
      %get3A_338 = vector.shape_cast %get3A_337 : vector<1x1x16xi32> to vector<16xi32>
      %mul3A_339 = arith.constant 100000 : i32
      %mul3A_340 = arith.muli %select_n3A_314, %mul3A_339 : i32
      %add3A_341 = vector.broadcast %mul3A_340 : i32 to vector<16xi32>
      %add3A_342 = arith.addi %get3A_338, %add3A_341 : vector<16xi32>
      %mul3A_343 = arith.constant 16 : i32
      %mul3A_344 = arith.muli %scan3A_290, %mul3A_343 : i32
      %swap3A_345 = arith.index_cast %mul3A_344 : i32 to index
      %swap3A_346 = tpu.vector_load %arg9[%swap3A_345] {strides = array<i32>} : memref<3328xi32, #tpu.memory_space<vmem>>, vector<16xi32>,
      %swap3A_347 = vector.shape_cast %swap3A_346 : vector<16xi32> to vector<16xi32>
      %swap3A_348 = vector.shape_cast %add3A_342 : vector<16xi32> to vector<16xi32>
      tpu.vector_store %arg9[%swap3A_345], %swap3A_348 {strides = array<i32>} : memref<3328xi32, #tpu.memory_space<vmem>>, vector<16xi32>,
      %scan3A_349 = arith.constant 0 : i32
      %scan3A_350 = arith.constant 2 : i32
      %scan3A_351 = arith.addi %scan3A_240, %scan3A_350 : i32
      %jit3A_352 = arith.constant 8 : i32
      %div3A_353 = arith.divsi %scan3A_351, %jit3A_352 : i32
      %sign3A_354 = arith.constant 0 : i32
      %sign3A_355 = arith.cmpi sgt, %scan3A_351, %sign3A_354 : i32
      %sign3A_356 = arith.extui %sign3A_355 : i1 to i32
      %sign3A_357 = arith.constant 0 : i32
      %sign3A_358 = arith.cmpi slt, %scan3A_351, %sign3A_357 : i32
      %sign3A_359 = arith.extui %sign3A_358 : i1 to i32
      %sign3A_360 = arith.subi %sign3A_356, %sign3A_359 : i32
      %sign3A_361 = arith.constant 0 : i32
      %sign3A_362 = arith.cmpi sgt, %jit3A_352, %sign3A_361 : i32
      %sign3A_363 = arith.extui %sign3A_362 : i1 to i32
      %sign3A_364 = arith.constant 0 : i32
      %sign3A_365 = arith.cmpi slt, %jit3A_352, %sign3A_364 : i32
      %sign3A_366 = arith.extui %sign3A_365 : i1 to i32
      %sign3A_367 = arith.subi %sign3A_363, %sign3A_366 : i32
      %ne3A_368 = arith.cmpi ne, %sign3A_360, %sign3A_367 : i32
      %rem3A_369 = arith.remsi %scan3A_351, %jit3A_352 : i32
      %ne3A_370 = arith.constant 0 : i32
      %ne3A_371 = arith.cmpi ne, %rem3A_369, %ne3A_370 : i32
      %and3A_372 = arith.andi %ne3A_368, %ne3A_371 : i1
      %sub3A_373 = arith.constant 1 : i32
      %sub3A_374 = arith.subi %div3A_353, %sub3A_373 : i32
      %select_n3A_375 = arith.select %and3A_372, %sub3A_374, %div3A_353 : i32
      %jit3A_376 = arith.constant 8 : i32
      %eq3A_377 = arith.constant 0 : i32
      %eq3A_378 = arith.cmpi eq, %jit3A_376, %eq3A_377 : i32
      %jit3A_379 = arith.constant 1 : i32
      %select_n3A_380 = arith.select %eq3A_378, %jit3A_379, %jit3A_376 : i32
      %rem3A_381 = arith.remsi %scan3A_351, %select_n3A_380 : i32
      %ne3A_382 = arith.constant 0 : i32
      %ne3A_383 = arith.cmpi ne, %rem3A_381, %ne3A_382 : i32
      %lt3A_384 = arith.constant 0 : i32
      %lt3A_385 = arith.cmpi slt, %rem3A_381, %lt3A_384 : i32
      %lt3A_386 = arith.constant 0 : i32
      %lt3A_387 = arith.cmpi slt, %select_n3A_380, %lt3A_386 : i32
      %ne3A_388 = arith.xori %lt3A_385, %lt3A_387 : i1
      %and3A_389 = arith.andi %ne3A_388, %ne3A_383 : i1
      %add3A_390 = arith.addi %rem3A_381, %select_n3A_380 : i32
      %select_n3A_391 = arith.select %and3A_389, %add3A_390, %rem3A_381 : i32
      %mul3A_392 = arith.constant 16 : i32
      %mul3A_393 = arith.muli %select_n3A_391, %mul3A_392 : i32
      %get3A_394 = arith.constant 2 : i32
      %get3A_395 = arith.index_cast %get3A_394 : i32 to index
      %get3A_396 = arith.index_cast %select_n3A_375 : i32 to index
      %get3A_397 = arith.index_cast %mul3A_393 : i32 to index
      %get3A_398 = tpu.vector_load %arg6[%get3A_395, %get3A_396, %get3A_397] {strides = array<i32>} : memref<4x26x128xi32, #tpu.memory_space<vmem>>, vector<1x1x16xi32>,
      %get3A_399 = vector.shape_cast %get3A_398 : vector<1x1x16xi32> to vector<16xi32>
      %mul3A_400 = arith.constant 100000 : i32
      %mul3A_401 = arith.muli %select_n3A_375, %mul3A_400 : i32
      %add3A_402 = vector.broadcast %mul3A_401 : i32 to vector<16xi32>
      %add3A_403 = arith.addi %get3A_399, %add3A_402 : vector<16xi32>
      %mul3A_404 = arith.constant 16 : i32
      %mul3A_405 = arith.muli %scan3A_351, %mul3A_404 : i32
      %swap3A_406 = arith.index_cast %mul3A_405 : i32 to index
      %swap3A_407 = tpu.vector_load %arg9[%swap3A_406] {strides = array<i32>} : memref<3328xi32, #tpu.memory_space<vmem>>, vector<16xi32>,
      %swap3A_408 = vector.shape_cast %swap3A_407 : vector<16xi32> to vector<16xi32>
      %swap3A_409 = vector.shape_cast %add3A_403 : vector<16xi32> to vector<16xi32>
      tpu.vector_store %arg9[%swap3A_406], %swap3A_409 {strides = array<i32>} : memref<3328xi32, #tpu.memory_space<vmem>>, vector<16xi32>,
      %scan3A_410 = arith.constant 0 : i32
      %scan3A_411 = arith.constant 3 : i32
      %scan3A_412 = arith.addi %scan3A_240, %scan3A_411 : i32
      %jit3A_413 = arith.constant 8 : i32
      %div3A_414 = arith.divsi %scan3A_412, %jit3A_413 : i32
      %sign3A_415 = arith.constant 0 : i32
      %sign3A_416 = arith.cmpi sgt, %scan3A_412, %sign3A_415 : i32
      %sign3A_417 = arith.extui %sign3A_416 : i1 to i32
      %sign3A_418 = arith.constant 0 : i32
      %sign3A_419 = arith.cmpi slt, %scan3A_412, %sign3A_418 : i32
      %sign3A_420 = arith.extui %sign3A_419 : i1 to i32
      %sign3A_421 = arith.subi %sign3A_417, %sign3A_420 : i32
      %sign3A_422 = arith.constant 0 : i32
      %sign3A_423 = arith.cmpi sgt, %jit3A_413, %sign3A_422 : i32
      %sign3A_424 = arith.extui %sign3A_423 : i1 to i32
      %sign3A_425 = arith.constant 0 : i32
      %sign3A_426 = arith.cmpi slt, %jit3A_413, %sign3A_425 : i32
      %sign3A_427 = arith.extui %sign3A_426 : i1 to i32
      %sign3A_428 = arith.subi %sign3A_424, %sign3A_427 : i32
      %ne3A_429 = arith.cmpi ne, %sign3A_421, %sign3A_428 : i32
      %rem3A_430 = arith.remsi %scan3A_412, %jit3A_413 : i32
      %ne3A_431 = arith.constant 0 : i32
      %ne3A_432 = arith.cmpi ne, %rem3A_430, %ne3A_431 : i32
      %and3A_433 = arith.andi %ne3A_429, %ne3A_432 : i1
      %sub3A_434 = arith.constant 1 : i32
      %sub3A_435 = arith.subi %div3A_414, %sub3A_434 : i32
      %select_n3A_436 = arith.select %and3A_433, %sub3A_435, %div3A_414 : i32
      %jit3A_437 = arith.constant 8 : i32
      %eq3A_438 = arith.constant 0 : i32
      %eq3A_439 = arith.cmpi eq, %jit3A_437, %eq3A_438 : i32
      %jit3A_440 = arith.constant 1 : i32
      %select_n3A_441 = arith.select %eq3A_439, %jit3A_440, %jit3A_437 : i32
      %rem3A_442 = arith.remsi %scan3A_412, %select_n3A_441 : i32
      %ne3A_443 = arith.constant 0 : i32
      %ne3A_444 = arith.cmpi ne, %rem3A_442, %ne3A_443 : i32
      %lt3A_445 = arith.constant 0 : i32
      %lt3A_446 = arith.cmpi slt, %rem3A_442, %lt3A_445 : i32
      %lt3A_447 = arith.constant 0 : i32
      %lt3A_448 = arith.cmpi slt, %select_n3A_441, %lt3A_447 : i32
      %ne3A_449 = arith.xori %lt3A_446, %lt3A_448 : i1
      %and3A_450 = arith.andi %ne3A_449, %ne3A_444 : i1
      %add3A_451 = arith.addi %rem3A_442, %select_n3A_441 : i32
      %select_n3A_452 = arith.select %and3A_450, %add3A_451, %rem3A_442 : i32
      %mul3A_453 = arith.constant 16 : i32
      %mul3A_454 = arith.muli %select_n3A_452, %mul3A_453 : i32
      %get3A_455 = arith.constant 2 : i32
      %get3A_456 = arith.index_cast %get3A_455 : i32 to index
      %get3A_457 = arith.index_cast %select_n3A_436 : i32 to index
      %get3A_458 = arith.index_cast %mul3A_454 : i32 to index
      %get3A_459 = tpu.vector_load %arg6[%get3A_456, %get3A_457, %get3A_458] {strides = array<i32>} : memref<4x26x128xi32, #tpu.memory_space<vmem>>, vector<1x1x16xi32>,
      %get3A_460 = vector.shape_cast %get3A_459 : vector<1x1x16xi32> to vector<16xi32>
      %mul3A_461 = arith.constant 100000 : i32
      %mul3A_462 = arith.muli %select_n3A_436, %mul3A_461 : i32
      %add3A_463 = vector.broadcast %mul3A_462 : i32 to vector<16xi32>
      %add3A_464 = arith.addi %get3A_460, %add3A_463 : vector<16xi32>
      %mul3A_465 = arith.constant 16 : i32
      %mul3A_466 = arith.muli %scan3A_412, %mul3A_465 : i32
      %swap3A_467 = arith.index_cast %mul3A_466 : i32 to index
      %swap3A_468 = tpu.vector_load %arg9[%swap3A_467] {strides = array<i32>} : memref<3328xi32, #tpu.memory_space<vmem>>, vector<16xi32>,
      %swap3A_469 = vector.shape_cast %swap3A_468 : vector<16xi32> to vector<16xi32>
      %swap3A_470 = vector.shape_cast %add3A_464 : vector<16xi32> to vector<16xi32>
      tpu.vector_store %arg9[%swap3A_467], %swap3A_470 {strides = array<i32>} : memref<3328xi32, #tpu.memory_space<vmem>>, vector<16xi32>,
      %scan3A_471 = arith.constant 0 : i32
      scf.yield %scan3A_471 : i32
    }
    %scan3A_156 = arith.constant 208 : i32
    %dma_start3A_157 = arith.constant 2 : i32
    %dma_start3A_158 = arith.constant 0 : i32
    %dma_start3A_159 = tpu.memref_slice %arg4[%dma_start3A_158] : memref<2600960xf32, #tpu.memory_space<hbm>> -> memref<2600960xf32, #tpu.memory_space<hbm>>
    %dma_start3A_160 = tpu.memref_slice %arg18[%dma_start3A_157] : memref<4x!tpu.dma_semaphore, #tpu.memory_space<semaphore_mem>> -> memref<1x!tpu.dma_semaphore, #tpu.memory_space<semaphore_mem>>
    %dma_start3A_161 = tpu.memref_squeeze %dma_start3A_160 : memref<1x!tpu.dma_semaphore, #tpu.memory_space<semaphore_mem>> -> memref<!tpu.dma_semaphore, #tpu.memory_space<semaphore_mem>>
    tpu.enqueue_indirect_dma source(%dma_start3A_159 : memref<2600960xf32, #tpu.memory_space<hbm>>) target(%arg13 : memref<3328xf32, #tpu.memory_space<vmem>>) offsets(%arg9 : memref<3328xi32, #tpu.memory_space<vmem>>) semaphore(%dma_start3A_161 : memref<!tpu.dma_semaphore, #tpu.memory_space<semaphore_mem>>)
    %add3A_162 = arith.constant 384 : i32
    %add3A_163 = arith.addi %mul3A_2, %add3A_162 : i32
    %dma_wait3A_164 = arith.constant 3 : i32
    %dma_wait3A_165 = arith.constant 3 : i32
    %dma_wait3A_166 = arith.constant 0 : i32
    %dma_wait3A_167 = arith.constant 0 : i32
    %dma_wait3A_168 = tpu.memref_slice %arg6[%dma_wait3A_164, %dma_wait3A_166, %dma_wait3A_167] : memref<4x26x128xi32, #tpu.memory_space<vmem>> -> memref<1x26x128xi32, #tpu.memory_space<vmem>>
    %dma_wait3A_169 = tpu.memref_squeeze %dma_wait3A_168 : memref<1x26x128xi32, #tpu.memory_space<vmem>> -> memref<26x128xi32, #tpu.memory_space<vmem>>
    %dma_wait3A_170 = arith.constant 0 : i32
    %dma_wait3A_171 = tpu.memref_slice %arg2[%dma_wait3A_170, %add3A_163] : memref<26x16384xi32, #tpu.memory_space<hbm>> -> memref<26x128xi32, #tpu.memory_space<hbm>>
    %dma_wait3A_172 = tpu.memref_slice %arg17[%dma_wait3A_165] : memref<4x!tpu.dma_semaphore, #tpu.memory_space<semaphore_mem>> -> memref<1x!tpu.dma_semaphore, #tpu.memory_space<semaphore_mem>>
    %dma_wait3A_173 = tpu.memref_squeeze %dma_wait3A_172 : memref<1x!tpu.dma_semaphore, #tpu.memory_space<semaphore_mem>> -> memref<!tpu.dma_semaphore, #tpu.memory_space<semaphore_mem>>
    %dma_wait3A_174 = arith.constant 0 : i32
    %dma_wait3A_175 = arith.constant 0 : i32
    %dma_wait3A_176 = tpu.memref_slice %arg6[%dma_wait3A_164, %dma_wait3A_174, %dma_wait3A_175] : memref<4x26x128xi32, #tpu.memory_space<vmem>> -> memref<1x26x128xi32, #tpu.memory_space<vmem>>
    %dma_wait3A_177 = tpu.memref_squeeze %dma_wait3A_176 : memref<1x26x128xi32, #tpu.memory_space<vmem>> -> memref<26x128xi32, #tpu.memory_space<vmem>>
    %dma_wait3A_178 = arith.constant 0 : i32
    %dma_wait3A_179 = tpu.memref_slice %arg2[%dma_wait3A_178, %add3A_163] : memref<26x16384xi32, #tpu.memory_space<hbm>> -> memref<26x128xi32, #tpu.memory_space<hbm>>
    tpu.wait_dma2 semaphore(%dma_wait3A_173 : memref<!tpu.dma_semaphore, #tpu.memory_space<semaphore_mem>>) src(%dma_wait3A_179 : memref<26x128xi32, #tpu.memory_space<hbm>>) dst(%dma_wait3A_177 : memref<26x128xi32, #tpu.memory_space<vmem>>)
    %scan3A_180 = arith.constant 0 : i32
    %scan3A_181 = arith.constant 0 : i32
    %scan3A_182 = arith.constant 208 : i32
    %scan3A_183 = arith.addi %scan3A_181, %scan3A_182 : i32
    %scan3A_184 = arith.constant 4 : i32
    %scan3A_185 = scf.for %scan3A_240 = %scan3A_181 to %scan3A_183 step %scan3A_184 iter_args(%scan3A_241 = %scan3A_180) -> (i32)  : i32 {
      %jit3A = arith.constant 8 : i32
      %div3A = arith.divsi %scan3A_240, %jit3A : i32
      %sign3A = arith.constant 0 : i32
      %sign3A_242 = arith.cmpi sgt, %scan3A_240, %sign3A : i32
      %sign3A_243 = arith.extui %sign3A_242 : i1 to i32
      %sign3A_244 = arith.constant 0 : i32
      %sign3A_245 = arith.cmpi slt, %scan3A_240, %sign3A_244 : i32
      %sign3A_246 = arith.extui %sign3A_245 : i1 to i32
      %sign3A_247 = arith.subi %sign3A_243, %sign3A_246 : i32
      %sign3A_248 = arith.constant 0 : i32
      %sign3A_249 = arith.cmpi sgt, %jit3A, %sign3A_248 : i32
      %sign3A_250 = arith.extui %sign3A_249 : i1 to i32
      %sign3A_251 = arith.constant 0 : i32
      %sign3A_252 = arith.cmpi slt, %jit3A, %sign3A_251 : i32
      %sign3A_253 = arith.extui %sign3A_252 : i1 to i32
      %sign3A_254 = arith.subi %sign3A_250, %sign3A_253 : i32
      %ne3A = arith.cmpi ne, %sign3A_247, %sign3A_254 : i32
      %rem3A = arith.remsi %scan3A_240, %jit3A : i32
      %ne3A_255 = arith.constant 0 : i32
      %ne3A_256 = arith.cmpi ne, %rem3A, %ne3A_255 : i32
      %and3A = arith.andi %ne3A, %ne3A_256 : i1
      %sub3A = arith.constant 1 : i32
      %sub3A_257 = arith.subi %div3A, %sub3A : i32
      %select_n3A = arith.select %and3A, %sub3A_257, %div3A : i32
      %jit3A_258 = arith.constant 8 : i32
      %eq3A = arith.constant 0 : i32
      %eq3A_259 = arith.cmpi eq, %jit3A_258, %eq3A : i32
      %jit3A_260 = arith.constant 1 : i32
      %select_n3A_261 = arith.select %eq3A_259, %jit3A_260, %jit3A_258 : i32
      %rem3A_262 = arith.remsi %scan3A_240, %select_n3A_261 : i32
      %ne3A_263 = arith.constant 0 : i32
      %ne3A_264 = arith.cmpi ne, %rem3A_262, %ne3A_263 : i32
      %lt3A = arith.constant 0 : i32
      %lt3A_265 = arith.cmpi slt, %rem3A_262, %lt3A : i32
      %lt3A_266 = arith.constant 0 : i32
      %lt3A_267 = arith.cmpi slt, %select_n3A_261, %lt3A_266 : i32
      %ne3A_268 = arith.xori %lt3A_265, %lt3A_267 : i1
      %and3A_269 = arith.andi %ne3A_268, %ne3A_264 : i1
      %add3A_270 = arith.addi %rem3A_262, %select_n3A_261 : i32
      %select_n3A_271 = arith.select %and3A_269, %add3A_270, %rem3A_262 : i32
      %mul3A_272 = arith.constant 16 : i32
      %mul3A_273 = arith.muli %select_n3A_271, %mul3A_272 : i32
      %get3A = arith.constant 3 : i32
      %get3A_274 = arith.index_cast %get3A : i32 to index
      %get3A_275 = arith.index_cast %select_n3A : i32 to index
      %get3A_276 = arith.index_cast %mul3A_273 : i32 to index
      %get3A_277 = tpu.vector_load %arg6[%get3A_274, %get3A_275, %get3A_276] {strides = array<i32>} : memref<4x26x128xi32, #tpu.memory_space<vmem>>, vector<1x1x16xi32>,
      %get3A_278 = vector.shape_cast %get3A_277 : vector<1x1x16xi32> to vector<16xi32>
      %mul3A_279 = arith.constant 100000 : i32
      %mul3A_280 = arith.muli %select_n3A, %mul3A_279 : i32
      %add3A_281 = vector.broadcast %mul3A_280 : i32 to vector<16xi32>
      %add3A_282 = arith.addi %get3A_278, %add3A_281 : vector<16xi32>
      %mul3A_283 = arith.constant 16 : i32
      %mul3A_284 = arith.muli %scan3A_240, %mul3A_283 : i32
      %swap3A = arith.index_cast %mul3A_284 : i32 to index
      %swap3A_285 = tpu.vector_load %arg10[%swap3A] {strides = array<i32>} : memref<3328xi32, #tpu.memory_space<vmem>>, vector<16xi32>,
      %swap3A_286 = vector.shape_cast %swap3A_285 : vector<16xi32> to vector<16xi32>
      %swap3A_287 = vector.shape_cast %add3A_282 : vector<16xi32> to vector<16xi32>
      tpu.vector_store %arg10[%swap3A], %swap3A_287 {strides = array<i32>} : memref<3328xi32, #tpu.memory_space<vmem>>, vector<16xi32>,
      %scan3A_288 = arith.constant 0 : i32
      %scan3A_289 = arith.constant 1 : i32
      %scan3A_290 = arith.addi %scan3A_240, %scan3A_289 : i32
      %jit3A_291 = arith.constant 8 : i32
      %div3A_292 = arith.divsi %scan3A_290, %jit3A_291 : i32
      %sign3A_293 = arith.constant 0 : i32
      %sign3A_294 = arith.cmpi sgt, %scan3A_290, %sign3A_293 : i32
      %sign3A_295 = arith.extui %sign3A_294 : i1 to i32
      %sign3A_296 = arith.constant 0 : i32
      %sign3A_297 = arith.cmpi slt, %scan3A_290, %sign3A_296 : i32
      %sign3A_298 = arith.extui %sign3A_297 : i1 to i32
      %sign3A_299 = arith.subi %sign3A_295, %sign3A_298 : i32
      %sign3A_300 = arith.constant 0 : i32
      %sign3A_301 = arith.cmpi sgt, %jit3A_291, %sign3A_300 : i32
      %sign3A_302 = arith.extui %sign3A_301 : i1 to i32
      %sign3A_303 = arith.constant 0 : i32
      %sign3A_304 = arith.cmpi slt, %jit3A_291, %sign3A_303 : i32
      %sign3A_305 = arith.extui %sign3A_304 : i1 to i32
      %sign3A_306 = arith.subi %sign3A_302, %sign3A_305 : i32
      %ne3A_307 = arith.cmpi ne, %sign3A_299, %sign3A_306 : i32
      %rem3A_308 = arith.remsi %scan3A_290, %jit3A_291 : i32
      %ne3A_309 = arith.constant 0 : i32
      %ne3A_310 = arith.cmpi ne, %rem3A_308, %ne3A_309 : i32
      %and3A_311 = arith.andi %ne3A_307, %ne3A_310 : i1
      %sub3A_312 = arith.constant 1 : i32
      %sub3A_313 = arith.subi %div3A_292, %sub3A_312 : i32
      %select_n3A_314 = arith.select %and3A_311, %sub3A_313, %div3A_292 : i32
      %jit3A_315 = arith.constant 8 : i32
      %eq3A_316 = arith.constant 0 : i32
      %eq3A_317 = arith.cmpi eq, %jit3A_315, %eq3A_316 : i32
      %jit3A_318 = arith.constant 1 : i32
      %select_n3A_319 = arith.select %eq3A_317, %jit3A_318, %jit3A_315 : i32
      %rem3A_320 = arith.remsi %scan3A_290, %select_n3A_319 : i32
      %ne3A_321 = arith.constant 0 : i32
      %ne3A_322 = arith.cmpi ne, %rem3A_320, %ne3A_321 : i32
      %lt3A_323 = arith.constant 0 : i32
      %lt3A_324 = arith.cmpi slt, %rem3A_320, %lt3A_323 : i32
      %lt3A_325 = arith.constant 0 : i32
      %lt3A_326 = arith.cmpi slt, %select_n3A_319, %lt3A_325 : i32
      %ne3A_327 = arith.xori %lt3A_324, %lt3A_326 : i1
      %and3A_328 = arith.andi %ne3A_327, %ne3A_322 : i1
      %add3A_329 = arith.addi %rem3A_320, %select_n3A_319 : i32
      %select_n3A_330 = arith.select %and3A_328, %add3A_329, %rem3A_320 : i32
      %mul3A_331 = arith.constant 16 : i32
      %mul3A_332 = arith.muli %select_n3A_330, %mul3A_331 : i32
      %get3A_333 = arith.constant 3 : i32
      %get3A_334 = arith.index_cast %get3A_333 : i32 to index
      %get3A_335 = arith.index_cast %select_n3A_314 : i32 to index
      %get3A_336 = arith.index_cast %mul3A_332 : i32 to index
      %get3A_337 = tpu.vector_load %arg6[%get3A_334, %get3A_335, %get3A_336] {strides = array<i32>} : memref<4x26x128xi32, #tpu.memory_space<vmem>>, vector<1x1x16xi32>,
      %get3A_338 = vector.shape_cast %get3A_337 : vector<1x1x16xi32> to vector<16xi32>
      %mul3A_339 = arith.constant 100000 : i32
      %mul3A_340 = arith.muli %select_n3A_314, %mul3A_339 : i32
      %add3A_341 = vector.broadcast %mul3A_340 : i32 to vector<16xi32>
      %add3A_342 = arith.addi %get3A_338, %add3A_341 : vector<16xi32>
      %mul3A_343 = arith.constant 16 : i32
      %mul3A_344 = arith.muli %scan3A_290, %mul3A_343 : i32
      %swap3A_345 = arith.index_cast %mul3A_344 : i32 to index
      %swap3A_346 = tpu.vector_load %arg10[%swap3A_345] {strides = array<i32>} : memref<3328xi32, #tpu.memory_space<vmem>>, vector<16xi32>,
      %swap3A_347 = vector.shape_cast %swap3A_346 : vector<16xi32> to vector<16xi32>
      %swap3A_348 = vector.shape_cast %add3A_342 : vector<16xi32> to vector<16xi32>
      tpu.vector_store %arg10[%swap3A_345], %swap3A_348 {strides = array<i32>} : memref<3328xi32, #tpu.memory_space<vmem>>, vector<16xi32>,
      %scan3A_349 = arith.constant 0 : i32
      %scan3A_350 = arith.constant 2 : i32
      %scan3A_351 = arith.addi %scan3A_240, %scan3A_350 : i32
      %jit3A_352 = arith.constant 8 : i32
      %div3A_353 = arith.divsi %scan3A_351, %jit3A_352 : i32
      %sign3A_354 = arith.constant 0 : i32
      %sign3A_355 = arith.cmpi sgt, %scan3A_351, %sign3A_354 : i32
      %sign3A_356 = arith.extui %sign3A_355 : i1 to i32
      %sign3A_357 = arith.constant 0 : i32
      %sign3A_358 = arith.cmpi slt, %scan3A_351, %sign3A_357 : i32
      %sign3A_359 = arith.extui %sign3A_358 : i1 to i32
      %sign3A_360 = arith.subi %sign3A_356, %sign3A_359 : i32
      %sign3A_361 = arith.constant 0 : i32
      %sign3A_362 = arith.cmpi sgt, %jit3A_352, %sign3A_361 : i32
      %sign3A_363 = arith.extui %sign3A_362 : i1 to i32
      %sign3A_364 = arith.constant 0 : i32
      %sign3A_365 = arith.cmpi slt, %jit3A_352, %sign3A_364 : i32
      %sign3A_366 = arith.extui %sign3A_365 : i1 to i32
      %sign3A_367 = arith.subi %sign3A_363, %sign3A_366 : i32
      %ne3A_368 = arith.cmpi ne, %sign3A_360, %sign3A_367 : i32
      %rem3A_369 = arith.remsi %scan3A_351, %jit3A_352 : i32
      %ne3A_370 = arith.constant 0 : i32
      %ne3A_371 = arith.cmpi ne, %rem3A_369, %ne3A_370 : i32
      %and3A_372 = arith.andi %ne3A_368, %ne3A_371 : i1
      %sub3A_373 = arith.constant 1 : i32
      %sub3A_374 = arith.subi %div3A_353, %sub3A_373 : i32
      %select_n3A_375 = arith.select %and3A_372, %sub3A_374, %div3A_353 : i32
      %jit3A_376 = arith.constant 8 : i32
      %eq3A_377 = arith.constant 0 : i32
      %eq3A_378 = arith.cmpi eq, %jit3A_376, %eq3A_377 : i32
      %jit3A_379 = arith.constant 1 : i32
      %select_n3A_380 = arith.select %eq3A_378, %jit3A_379, %jit3A_376 : i32
      %rem3A_381 = arith.remsi %scan3A_351, %select_n3A_380 : i32
      %ne3A_382 = arith.constant 0 : i32
      %ne3A_383 = arith.cmpi ne, %rem3A_381, %ne3A_382 : i32
      %lt3A_384 = arith.constant 0 : i32
      %lt3A_385 = arith.cmpi slt, %rem3A_381, %lt3A_384 : i32
      %lt3A_386 = arith.constant 0 : i32
      %lt3A_387 = arith.cmpi slt, %select_n3A_380, %lt3A_386 : i32
      %ne3A_388 = arith.xori %lt3A_385, %lt3A_387 : i1
      %and3A_389 = arith.andi %ne3A_388, %ne3A_383 : i1
      %add3A_390 = arith.addi %rem3A_381, %select_n3A_380 : i32
      %select_n3A_391 = arith.select %and3A_389, %add3A_390, %rem3A_381 : i32
      %mul3A_392 = arith.constant 16 : i32
      %mul3A_393 = arith.muli %select_n3A_391, %mul3A_392 : i32
      %get3A_394 = arith.constant 3 : i32
      %get3A_395 = arith.index_cast %get3A_394 : i32 to index
      %get3A_396 = arith.index_cast %select_n3A_375 : i32 to index
      %get3A_397 = arith.index_cast %mul3A_393 : i32 to index
      %get3A_398 = tpu.vector_load %arg6[%get3A_395, %get3A_396, %get3A_397] {strides = array<i32>} : memref<4x26x128xi32, #tpu.memory_space<vmem>>, vector<1x1x16xi32>,
      %get3A_399 = vector.shape_cast %get3A_398 : vector<1x1x16xi32> to vector<16xi32>
      %mul3A_400 = arith.constant 100000 : i32
      %mul3A_401 = arith.muli %select_n3A_375, %mul3A_400 : i32
      %add3A_402 = vector.broadcast %mul3A_401 : i32 to vector<16xi32>
      %add3A_403 = arith.addi %get3A_399, %add3A_402 : vector<16xi32>
      %mul3A_404 = arith.constant 16 : i32
      %mul3A_405 = arith.muli %scan3A_351, %mul3A_404 : i32
      %swap3A_406 = arith.index_cast %mul3A_405 : i32 to index
      %swap3A_407 = tpu.vector_load %arg10[%swap3A_406] {strides = array<i32>} : memref<3328xi32, #tpu.memory_space<vmem>>, vector<16xi32>,
      %swap3A_408 = vector.shape_cast %swap3A_407 : vector<16xi32> to vector<16xi32>
      %swap3A_409 = vector.shape_cast %add3A_403 : vector<16xi32> to vector<16xi32>
      tpu.vector_store %arg10[%swap3A_406], %swap3A_409 {strides = array<i32>} : memref<3328xi32, #tpu.memory_space<vmem>>, vector<16xi32>,
      %scan3A_410 = arith.constant 0 : i32
      %scan3A_411 = arith.constant 3 : i32
      %scan3A_412 = arith.addi %scan3A_240, %scan3A_411 : i32
      %jit3A_413 = arith.constant 8 : i32
      %div3A_414 = arith.divsi %scan3A_412, %jit3A_413 : i32
      %sign3A_415 = arith.constant 0 : i32
      %sign3A_416 = arith.cmpi sgt, %scan3A_412, %sign3A_415 : i32
      %sign3A_417 = arith.extui %sign3A_416 : i1 to i32
      %sign3A_418 = arith.constant 0 : i32
      %sign3A_419 = arith.cmpi slt, %scan3A_412, %sign3A_418 : i32
      %sign3A_420 = arith.extui %sign3A_419 : i1 to i32
      %sign3A_421 = arith.subi %sign3A_417, %sign3A_420 : i32
      %sign3A_422 = arith.constant 0 : i32
      %sign3A_423 = arith.cmpi sgt, %jit3A_413, %sign3A_422 : i32
      %sign3A_424 = arith.extui %sign3A_423 : i1 to i32
      %sign3A_425 = arith.constant 0 : i32
      %sign3A_426 = arith.cmpi slt, %jit3A_413, %sign3A_425 : i32
      %sign3A_427 = arith.extui %sign3A_426 : i1 to i32
      %sign3A_428 = arith.subi %sign3A_424, %sign3A_427 : i32
      %ne3A_429 = arith.cmpi ne, %sign3A_421, %sign3A_428 : i32
      %rem3A_430 = arith.remsi %scan3A_412, %jit3A_413 : i32
      %ne3A_431 = arith.constant 0 : i32
      %ne3A_432 = arith.cmpi ne, %rem3A_430, %ne3A_431 : i32
      %and3A_433 = arith.andi %ne3A_429, %ne3A_432 : i1
      %sub3A_434 = arith.constant 1 : i32
      %sub3A_435 = arith.subi %div3A_414, %sub3A_434 : i32
      %select_n3A_436 = arith.select %and3A_433, %sub3A_435, %div3A_414 : i32
      %jit3A_437 = arith.constant 8 : i32
      %eq3A_438 = arith.constant 0 : i32
      %eq3A_439 = arith.cmpi eq, %jit3A_437, %eq3A_438 : i32
      %jit3A_440 = arith.constant 1 : i32
      %select_n3A_441 = arith.select %eq3A_439, %jit3A_440, %jit3A_437 : i32
      %rem3A_442 = arith.remsi %scan3A_412, %select_n3A_441 : i32
      %ne3A_443 = arith.constant 0 : i32
      %ne3A_444 = arith.cmpi ne, %rem3A_442, %ne3A_443 : i32
      %lt3A_445 = arith.constant 0 : i32
      %lt3A_446 = arith.cmpi slt, %rem3A_442, %lt3A_445 : i32
      %lt3A_447 = arith.constant 0 : i32
      %lt3A_448 = arith.cmpi slt, %select_n3A_441, %lt3A_447 : i32
      %ne3A_449 = arith.xori %lt3A_446, %lt3A_448 : i1
      %and3A_450 = arith.andi %ne3A_449, %ne3A_444 : i1
      %add3A_451 = arith.addi %rem3A_442, %select_n3A_441 : i32
      %select_n3A_452 = arith.select %and3A_450, %add3A_451, %rem3A_442 : i32
      %mul3A_453 = arith.constant 16 : i32
      %mul3A_454 = arith.muli %select_n3A_452, %mul3A_453 : i32
      %get3A_455 = arith.constant 3 : i32
      %get3A_456 = arith.index_cast %get3A_455 : i32 to index
      %get3A_457 = arith.index_cast %select_n3A_436 : i32 to index
      %get3A_458 = arith.index_cast %mul3A_454 : i32 to index
      %get3A_459 = tpu.vector_load %arg6[%get3A_456, %get3A_457, %get3A_458] {strides = array<i32>} : memref<4x26x128xi32, #tpu.memory_space<vmem>>, vector<1x1x16xi32>,
      %get3A_460 = vector.shape_cast %get3A_459 : vector<1x1x16xi32> to vector<16xi32>
      %mul3A_461 = arith.constant 100000 : i32
      %mul3A_462 = arith.muli %select_n3A_436, %mul3A_461 : i32
      %add3A_463 = vector.broadcast %mul3A_462 : i32 to vector<16xi32>
      %add3A_464 = arith.addi %get3A_460, %add3A_463 : vector<16xi32>
      %mul3A_465 = arith.constant 16 : i32
      %mul3A_466 = arith.muli %scan3A_412, %mul3A_465 : i32
      %swap3A_467 = arith.index_cast %mul3A_466 : i32 to index
      %swap3A_468 = tpu.vector_load %arg10[%swap3A_467] {strides = array<i32>} : memref<3328xi32, #tpu.memory_space<vmem>>, vector<16xi32>,
      %swap3A_469 = vector.shape_cast %swap3A_468 : vector<16xi32> to vector<16xi32>
      %swap3A_470 = vector.shape_cast %add3A_464 : vector<16xi32> to vector<16xi32>
      tpu.vector_store %arg10[%swap3A_467], %swap3A_470 {strides = array<i32>} : memref<3328xi32, #tpu.memory_space<vmem>>, vector<16xi32>,
      %scan3A_471 = arith.constant 0 : i32
      scf.yield %scan3A_471 : i32
    }
    %scan3A_186 = arith.constant 208 : i32
    %dma_start3A_187 = arith.constant 3 : i32
    %dma_start3A_188 = arith.constant 0 : i32
    %dma_start3A_189 = tpu.memref_slice %arg4[%dma_start3A_188] : memref<2600960xf32, #tpu.memory_space<hbm>> -> memref<2600960xf32, #tpu.memory_space<hbm>>
    %dma_start3A_190 = tpu.memref_slice %arg18[%dma_start3A_187] : memref<4x!tpu.dma_semaphore, #tpu.memory_space<semaphore_mem>> -> memref<1x!tpu.dma_semaphore, #tpu.memory_space<semaphore_mem>>
    %dma_start3A_191 = tpu.memref_squeeze %dma_start3A_190 : memref<1x!tpu.dma_semaphore, #tpu.memory_space<semaphore_mem>> -> memref<!tpu.dma_semaphore, #tpu.memory_space<semaphore_mem>>
    tpu.enqueue_indirect_dma source(%dma_start3A_189 : memref<2600960xf32, #tpu.memory_space<hbm>>) target(%arg14 : memref<3328xf32, #tpu.memory_space<vmem>>) offsets(%arg10 : memref<3328xi32, #tpu.memory_space<vmem>>) semaphore(%dma_start3A_191 : memref<!tpu.dma_semaphore, #tpu.memory_space<semaphore_mem>>)
    "tpu.region"() ({
      %run_scoped3A = tpu.sem_alloc : memref<!tpu.dma_semaphore, #tpu.memory_space<semaphore_mem>>
      tpu.enqueue_dma source(%arg3 : memref<16xf32, #tpu.memory_space<hbm>>) target(%arg16 : memref<16xf32, #tpu.memory_space<vmem>>) target_semaphore(%run_scoped3A : memref<!tpu.dma_semaphore, #tpu.memory_space<semaphore_mem>>)
      tpu.wait_dma2 semaphore(%run_scoped3A : memref<!tpu.dma_semaphore, #tpu.memory_space<semaphore_mem>>) src(%arg3 : memref<16xf32, #tpu.memory_space<hbm>>) dst(%arg16 : memref<16xf32, #tpu.memory_space<vmem>>)
      tpu.yield
    }) : () -> ()
    %dma_wait3A_192 = arith.constant 0 : i32
    %dma_wait3A_193 = arith.constant 0 : i32
    %dma_wait3A_194 = tpu.memref_slice %arg4[%dma_wait3A_193] : memref<2600960xf32, #tpu.memory_space<hbm>> -> memref<2600960xf32, #tpu.memory_space<hbm>>
    %dma_wait3A_195 = tpu.memref_slice %arg18[%dma_wait3A_192] : memref<4x!tpu.dma_semaphore, #tpu.memory_space<semaphore_mem>> -> memref<1x!tpu.dma_semaphore, #tpu.memory_space<semaphore_mem>>
    %dma_wait3A_196 = tpu.memref_squeeze %dma_wait3A_195 : memref<1x!tpu.dma_semaphore, #tpu.memory_space<semaphore_mem>> -> memref<!tpu.dma_semaphore, #tpu.memory_space<semaphore_mem>>
    tpu.wait_indirect_dma semaphore(%dma_wait3A_196 : memref<!tpu.dma_semaphore, #tpu.memory_space<semaphore_mem>>) src(%dma_wait3A_194 : memref<2600960xf32, #tpu.memory_space<hbm>>) dst(%arg11 : memref<3328xf32, #tpu.memory_space<vmem>>)
    %scan3A_197 = arith.constant 0 : i32
    %scan3A_198 = arith.constant 0 : i32
    %scan3A_199 = arith.constant 8 : i32
    %scan3A_200 = arith.addi %scan3A_198, %scan3A_199 : i32
    %scan3A_201 = arith.constant 1 : i32
    %scan3A_202 = scf.for %scan3A_240 = %scan3A_198 to %scan3A_200 step %scan3A_201 iter_args(%scan3A_241 = %scan3A_197) -> (i32)  : i32 {
      %mul3A_242 = arith.constant 16 : i32
      %mul3A_243 = arith.muli %scan3A_240, %mul3A_242 : i32
      %get3A = arith.constant 0 : index
      %get3A_244 = tpu.vector_load %arg16[%get3A] {strides = array<i32>} : memref<16xf32, #tpu.memory_space<vmem>>, vector<16xf32>,
      %get3A_245 = vector.shape_cast %get3A_244 : vector<16xf32> to vector<16xf32>
      %scan3A_246 = arith.constant 0 : i32
      %scan3A_247 = arith.constant 26 : i32
      %scan3A_248 = arith.addi %scan3A_246, %scan3A_247 : i32
      %scan3A_249 = arith.constant 2 : i32
      %scan3A_250 = scf.for %scan3A_258 = %scan3A_246 to %scan3A_248 step %scan3A_249 iter_args(%scan3A_259 = %get3A_245) -> (vector<16xf32>)  : i32 {
        %mul3A_260 = arith.constant 128 : i32
        %mul3A_261 = arith.muli %scan3A_258, %mul3A_260 : i32
        %add3A_262 = arith.addi %mul3A_261, %mul3A_243 : i32
        %get3A_263 = arith.index_cast %add3A_262 : i32 to index
        %get3A_264 = tpu.vector_load %arg11[%get3A_263] {strides = array<i32>} : memref<3328xf32, #tpu.memory_space<vmem>>, vector<16xf32>,
        %get3A_265 = vector.shape_cast %get3A_264 : vector<16xf32> to vector<16xf32>
        %add3A_266 = arith.addf %scan3A_259, %get3A_265 : vector<16xf32>
        %scan3A_267 = arith.constant 1 : i32
        %scan3A_268 = arith.addi %scan3A_258, %scan3A_267 : i32
        %mul3A_269 = arith.constant 128 : i32
        %mul3A_270 = arith.muli %scan3A_268, %mul3A_269 : i32
        %add3A_271 = arith.addi %mul3A_270, %mul3A_243 : i32
        %get3A_272 = arith.index_cast %add3A_271 : i32 to index
        %get3A_273 = tpu.vector_load %arg11[%get3A_272] {strides = array<i32>} : memref<3328xf32, #tpu.memory_space<vmem>>, vector<16xf32>,
        %get3A_274 = vector.shape_cast %get3A_273 : vector<16xf32> to vector<16xf32>
        %add3A_275 = arith.addf %add3A_266, %get3A_274 : vector<16xf32>
        scf.yield %add3A_275 : vector<16xf32>
      }
      %scan3A_251 = arith.constant 26 : i32
      %add3A_252 = arith.constant 0 : i32
      %add3A_253 = arith.addi %add3A_252, %mul3A_243 : i32
      %swap3A = arith.index_cast %add3A_253 : i32 to index
      %swap3A_254 = tpu.vector_load %arg15[%swap3A] {strides = array<i32>} : memref<512xf32, #tpu.memory_space<vmem>>, vector<16xf32>,
      %swap3A_255 = vector.shape_cast %swap3A_254 : vector<16xf32> to vector<16xf32>
      %swap3A_256 = vector.shape_cast %scan3A_250 : vector<16xf32> to vector<16xf32>
      tpu.vector_store %arg15[%swap3A], %swap3A_256 {strides = array<i32>} : memref<512xf32, #tpu.memory_space<vmem>>, vector<16xf32>,
      %scan3A_257 = arith.constant 0 : i32
      scf.yield %scan3A_257 : i32
    }
    %scan3A_203 = arith.constant 8 : i32
    %dma_wait3A_204 = arith.constant 1 : i32
    %dma_wait3A_205 = arith.constant 0 : i32
    %dma_wait3A_206 = tpu.memref_slice %arg4[%dma_wait3A_205] : memref<2600960xf32, #tpu.memory_space<hbm>> -> memref<2600960xf32, #tpu.memory_space<hbm>>
    %dma_wait3A_207 = tpu.memref_slice %arg18[%dma_wait3A_204] : memref<4x!tpu.dma_semaphore, #tpu.memory_space<semaphore_mem>> -> memref<1x!tpu.dma_semaphore, #tpu.memory_space<semaphore_mem>>
    %dma_wait3A_208 = tpu.memref_squeeze %dma_wait3A_207 : memref<1x!tpu.dma_semaphore, #tpu.memory_space<semaphore_mem>> -> memref<!tpu.dma_semaphore, #tpu.memory_space<semaphore_mem>>
    tpu.wait_indirect_dma semaphore(%dma_wait3A_208 : memref<!tpu.dma_semaphore, #tpu.memory_space<semaphore_mem>>) src(%dma_wait3A_206 : memref<2600960xf32, #tpu.memory_space<hbm>>) dst(%arg12 : memref<3328xf32, #tpu.memory_space<vmem>>)
    %scan3A_209 = arith.constant 0 : i32
    %scan3A_210 = arith.constant 0 : i32
    %scan3A_211 = arith.constant 8 : i32
    %scan3A_212 = arith.addi %scan3A_210, %scan3A_211 : i32
    %scan3A_213 = arith.constant 1 : i32
    %scan3A_214 = scf.for %scan3A_240 = %scan3A_210 to %scan3A_212 step %scan3A_213 iter_args(%scan3A_241 = %scan3A_209) -> (i32)  : i32 {
      %mul3A_242 = arith.constant 16 : i32
      %mul3A_243 = arith.muli %scan3A_240, %mul3A_242 : i32
      %get3A = arith.constant 0 : index
      %get3A_244 = tpu.vector_load %arg16[%get3A] {strides = array<i32>} : memref<16xf32, #tpu.memory_space<vmem>>, vector<16xf32>,
      %get3A_245 = vector.shape_cast %get3A_244 : vector<16xf32> to vector<16xf32>
      %scan3A_246 = arith.constant 0 : i32
      %scan3A_247 = arith.constant 26 : i32
      %scan3A_248 = arith.addi %scan3A_246, %scan3A_247 : i32
      %scan3A_249 = arith.constant 2 : i32
      %scan3A_250 = scf.for %scan3A_258 = %scan3A_246 to %scan3A_248 step %scan3A_249 iter_args(%scan3A_259 = %get3A_245) -> (vector<16xf32>)  : i32 {
        %mul3A_260 = arith.constant 128 : i32
        %mul3A_261 = arith.muli %scan3A_258, %mul3A_260 : i32
        %add3A_262 = arith.addi %mul3A_261, %mul3A_243 : i32
        %get3A_263 = arith.index_cast %add3A_262 : i32 to index
        %get3A_264 = tpu.vector_load %arg12[%get3A_263] {strides = array<i32>} : memref<3328xf32, #tpu.memory_space<vmem>>, vector<16xf32>,
        %get3A_265 = vector.shape_cast %get3A_264 : vector<16xf32> to vector<16xf32>
        %add3A_266 = arith.addf %scan3A_259, %get3A_265 : vector<16xf32>
        %scan3A_267 = arith.constant 1 : i32
        %scan3A_268 = arith.addi %scan3A_258, %scan3A_267 : i32
        %mul3A_269 = arith.constant 128 : i32
        %mul3A_270 = arith.muli %scan3A_268, %mul3A_269 : i32
        %add3A_271 = arith.addi %mul3A_270, %mul3A_243 : i32
        %get3A_272 = arith.index_cast %add3A_271 : i32 to index
        %get3A_273 = tpu.vector_load %arg12[%get3A_272] {strides = array<i32>} : memref<3328xf32, #tpu.memory_space<vmem>>, vector<16xf32>,
        %get3A_274 = vector.shape_cast %get3A_273 : vector<16xf32> to vector<16xf32>
        %add3A_275 = arith.addf %add3A_266, %get3A_274 : vector<16xf32>
        scf.yield %add3A_275 : vector<16xf32>
      }
      %scan3A_251 = arith.constant 26 : i32
      %add3A_252 = arith.constant 128 : i32
      %add3A_253 = arith.addi %add3A_252, %mul3A_243 : i32
      %swap3A = arith.index_cast %add3A_253 : i32 to index
      %swap3A_254 = tpu.vector_load %arg15[%swap3A] {strides = array<i32>} : memref<512xf32, #tpu.memory_space<vmem>>, vector<16xf32>,
      %swap3A_255 = vector.shape_cast %swap3A_254 : vector<16xf32> to vector<16xf32>
      %swap3A_256 = vector.shape_cast %scan3A_250 : vector<16xf32> to vector<16xf32>
      tpu.vector_store %arg15[%swap3A], %swap3A_256 {strides = array<i32>} : memref<512xf32, #tpu.memory_space<vmem>>, vector<16xf32>,
      %scan3A_257 = arith.constant 0 : i32
      scf.yield %scan3A_257 : i32
    }
    %scan3A_215 = arith.constant 8 : i32
    %dma_wait3A_216 = arith.constant 2 : i32
    %dma_wait3A_217 = arith.constant 0 : i32
    %dma_wait3A_218 = tpu.memref_slice %arg4[%dma_wait3A_217] : memref<2600960xf32, #tpu.memory_space<hbm>> -> memref<2600960xf32, #tpu.memory_space<hbm>>
    %dma_wait3A_219 = tpu.memref_slice %arg18[%dma_wait3A_216] : memref<4x!tpu.dma_semaphore, #tpu.memory_space<semaphore_mem>> -> memref<1x!tpu.dma_semaphore, #tpu.memory_space<semaphore_mem>>
    %dma_wait3A_220 = tpu.memref_squeeze %dma_wait3A_219 : memref<1x!tpu.dma_semaphore, #tpu.memory_space<semaphore_mem>> -> memref<!tpu.dma_semaphore, #tpu.memory_space<semaphore_mem>>
    tpu.wait_indirect_dma semaphore(%dma_wait3A_220 : memref<!tpu.dma_semaphore, #tpu.memory_space<semaphore_mem>>) src(%dma_wait3A_218 : memref<2600960xf32, #tpu.memory_space<hbm>>) dst(%arg13 : memref<3328xf32, #tpu.memory_space<vmem>>)
    %scan3A_221 = arith.constant 0 : i32
    %scan3A_222 = arith.constant 0 : i32
    %scan3A_223 = arith.constant 8 : i32
    %scan3A_224 = arith.addi %scan3A_222, %scan3A_223 : i32
    %scan3A_225 = arith.constant 1 : i32
    %scan3A_226 = scf.for %scan3A_240 = %scan3A_222 to %scan3A_224 step %scan3A_225 iter_args(%scan3A_241 = %scan3A_221) -> (i32)  : i32 {
      %mul3A_242 = arith.constant 16 : i32
      %mul3A_243 = arith.muli %scan3A_240, %mul3A_242 : i32
      %get3A = arith.constant 0 : index
      %get3A_244 = tpu.vector_load %arg16[%get3A] {strides = array<i32>} : memref<16xf32, #tpu.memory_space<vmem>>, vector<16xf32>,
      %get3A_245 = vector.shape_cast %get3A_244 : vector<16xf32> to vector<16xf32>
      %scan3A_246 = arith.constant 0 : i32
      %scan3A_247 = arith.constant 26 : i32
      %scan3A_248 = arith.addi %scan3A_246, %scan3A_247 : i32
      %scan3A_249 = arith.constant 2 : i32
      %scan3A_250 = scf.for %scan3A_258 = %scan3A_246 to %scan3A_248 step %scan3A_249 iter_args(%scan3A_259 = %get3A_245) -> (vector<16xf32>)  : i32 {
        %mul3A_260 = arith.constant 128 : i32
        %mul3A_261 = arith.muli %scan3A_258, %mul3A_260 : i32
        %add3A_262 = arith.addi %mul3A_261, %mul3A_243 : i32
        %get3A_263 = arith.index_cast %add3A_262 : i32 to index
        %get3A_264 = tpu.vector_load %arg13[%get3A_263] {strides = array<i32>} : memref<3328xf32, #tpu.memory_space<vmem>>, vector<16xf32>,
        %get3A_265 = vector.shape_cast %get3A_264 : vector<16xf32> to vector<16xf32>
        %add3A_266 = arith.addf %scan3A_259, %get3A_265 : vector<16xf32>
        %scan3A_267 = arith.constant 1 : i32
        %scan3A_268 = arith.addi %scan3A_258, %scan3A_267 : i32
        %mul3A_269 = arith.constant 128 : i32
        %mul3A_270 = arith.muli %scan3A_268, %mul3A_269 : i32
        %add3A_271 = arith.addi %mul3A_270, %mul3A_243 : i32
        %get3A_272 = arith.index_cast %add3A_271 : i32 to index
        %get3A_273 = tpu.vector_load %arg13[%get3A_272] {strides = array<i32>} : memref<3328xf32, #tpu.memory_space<vmem>>, vector<16xf32>,
        %get3A_274 = vector.shape_cast %get3A_273 : vector<16xf32> to vector<16xf32>
        %add3A_275 = arith.addf %add3A_266, %get3A_274 : vector<16xf32>
        scf.yield %add3A_275 : vector<16xf32>
      }
      %scan3A_251 = arith.constant 26 : i32
      %add3A_252 = arith.constant 256 : i32
      %add3A_253 = arith.addi %add3A_252, %mul3A_243 : i32
      %swap3A = arith.index_cast %add3A_253 : i32 to index
      %swap3A_254 = tpu.vector_load %arg15[%swap3A] {strides = array<i32>} : memref<512xf32, #tpu.memory_space<vmem>>, vector<16xf32>,
      %swap3A_255 = vector.shape_cast %swap3A_254 : vector<16xf32> to vector<16xf32>
      %swap3A_256 = vector.shape_cast %scan3A_250 : vector<16xf32> to vector<16xf32>
      tpu.vector_store %arg15[%swap3A], %swap3A_256 {strides = array<i32>} : memref<512xf32, #tpu.memory_space<vmem>>, vector<16xf32>,
      %scan3A_257 = arith.constant 0 : i32
      scf.yield %scan3A_257 : i32
    }
    %scan3A_227 = arith.constant 8 : i32
    %dma_wait3A_228 = arith.constant 3 : i32
    %dma_wait3A_229 = arith.constant 0 : i32
    %dma_wait3A_230 = tpu.memref_slice %arg4[%dma_wait3A_229] : memref<2600960xf32, #tpu.memory_space<hbm>> -> memref<2600960xf32, #tpu.memory_space<hbm>>
    %dma_wait3A_231 = tpu.memref_slice %arg18[%dma_wait3A_228] : memref<4x!tpu.dma_semaphore, #tpu.memory_space<semaphore_mem>> -> memref<1x!tpu.dma_semaphore, #tpu.memory_space<semaphore_mem>>
    %dma_wait3A_232 = tpu.memref_squeeze %dma_wait3A_231 : memref<1x!tpu.dma_semaphore, #tpu.memory_space<semaphore_mem>> -> memref<!tpu.dma_semaphore, #tpu.memory_space<semaphore_mem>>
    tpu.wait_indirect_dma semaphore(%dma_wait3A_232 : memref<!tpu.dma_semaphore, #tpu.memory_space<semaphore_mem>>) src(%dma_wait3A_230 : memref<2600960xf32, #tpu.memory_space<hbm>>) dst(%arg14 : memref<3328xf32, #tpu.memory_space<vmem>>)
    %scan3A_233 = arith.constant 0 : i32
    %scan3A_234 = arith.constant 0 : i32
    %scan3A_235 = arith.constant 8 : i32
    %scan3A_236 = arith.addi %scan3A_234, %scan3A_235 : i32
    %scan3A_237 = arith.constant 1 : i32
    %scan3A_238 = scf.for %scan3A_240 = %scan3A_234 to %scan3A_236 step %scan3A_237 iter_args(%scan3A_241 = %scan3A_233) -> (i32)  : i32 {
      %mul3A_242 = arith.constant 16 : i32
      %mul3A_243 = arith.muli %scan3A_240, %mul3A_242 : i32
      %get3A = arith.constant 0 : index
      %get3A_244 = tpu.vector_load %arg16[%get3A] {strides = array<i32>} : memref<16xf32, #tpu.memory_space<vmem>>, vector<16xf32>,
      %get3A_245 = vector.shape_cast %get3A_244 : vector<16xf32> to vector<16xf32>
      %scan3A_246 = arith.constant 0 : i32
      %scan3A_247 = arith.constant 26 : i32
      %scan3A_248 = arith.addi %scan3A_246, %scan3A_247 : i32
      %scan3A_249 = arith.constant 2 : i32
      %scan3A_250 = scf.for %scan3A_258 = %scan3A_246 to %scan3A_248 step %scan3A_249 iter_args(%scan3A_259 = %get3A_245) -> (vector<16xf32>)  : i32 {
        %mul3A_260 = arith.constant 128 : i32
        %mul3A_261 = arith.muli %scan3A_258, %mul3A_260 : i32
        %add3A_262 = arith.addi %mul3A_261, %mul3A_243 : i32
        %get3A_263 = arith.index_cast %add3A_262 : i32 to index
        %get3A_264 = tpu.vector_load %arg14[%get3A_263] {strides = array<i32>} : memref<3328xf32, #tpu.memory_space<vmem>>, vector<16xf32>,
        %get3A_265 = vector.shape_cast %get3A_264 : vector<16xf32> to vector<16xf32>
        %add3A_266 = arith.addf %scan3A_259, %get3A_265 : vector<16xf32>
        %scan3A_267 = arith.constant 1 : i32
        %scan3A_268 = arith.addi %scan3A_258, %scan3A_267 : i32
        %mul3A_269 = arith.constant 128 : i32
        %mul3A_270 = arith.muli %scan3A_268, %mul3A_269 : i32
        %add3A_271 = arith.addi %mul3A_270, %mul3A_243 : i32
        %get3A_272 = arith.index_cast %add3A_271 : i32 to index
        %get3A_273 = tpu.vector_load %arg14[%get3A_272] {strides = array<i32>} : memref<3328xf32, #tpu.memory_space<vmem>>, vector<16xf32>,
        %get3A_274 = vector.shape_cast %get3A_273 : vector<16xf32> to vector<16xf32>
        %add3A_275 = arith.addf %add3A_266, %get3A_274 : vector<16xf32>
        scf.yield %add3A_275 : vector<16xf32>
      }
      %scan3A_251 = arith.constant 26 : i32
      %add3A_252 = arith.constant 384 : i32
      %add3A_253 = arith.addi %add3A_252, %mul3A_243 : i32
      %swap3A = arith.index_cast %add3A_253 : i32 to index
      %swap3A_254 = tpu.vector_load %arg15[%swap3A] {strides = array<i32>} : memref<512xf32, #tpu.memory_space<vmem>>, vector<16xf32>,
      %swap3A_255 = vector.shape_cast %swap3A_254 : vector<16xf32> to vector<16xf32>
      %swap3A_256 = vector.shape_cast %scan3A_250 : vector<16xf32> to vector<16xf32>
      tpu.vector_store %arg15[%swap3A], %swap3A_256 {strides = array<i32>} : memref<512xf32, #tpu.memory_space<vmem>>, vector<16xf32>,
      %scan3A_257 = arith.constant 0 : i32
      scf.yield %scan3A_257 : i32
    }
    %scan3A_239 = arith.constant 8 : i32
    "tpu.region"() ({
      %run_scoped3A = tpu.sem_alloc : memref<!tpu.dma_semaphore, #tpu.memory_space<semaphore_mem>>
      %dma_start3A_240 = tpu.memref_slice %arg5[%mul3A_2] : memref<16384xf32, #tpu.memory_space<hbm>> -> memref<512xf32, #tpu.memory_space<hbm>>
      %dma_start3A_241 = tpu.memref_slice %arg5[%mul3A_2] : memref<16384xf32, #tpu.memory_space<hbm>> -> memref<512xf32, #tpu.memory_space<hbm>>
      tpu.enqueue_dma source(%arg15 : memref<512xf32, #tpu.memory_space<vmem>>) target(%dma_start3A_241 : memref<512xf32, #tpu.memory_space<hbm>>) target_semaphore(%run_scoped3A : memref<!tpu.dma_semaphore, #tpu.memory_space<semaphore_mem>>)
      %dma_wait3A_242 = tpu.memref_slice %arg5[%mul3A_2] : memref<16384xf32, #tpu.memory_space<hbm>> -> memref<512xf32, #tpu.memory_space<hbm>>
      %dma_wait3A_243 = tpu.memref_slice %arg5[%mul3A_2] : memref<16384xf32, #tpu.memory_space<hbm>> -> memref<512xf32, #tpu.memory_space<hbm>>
      tpu.wait_dma2 semaphore(%run_scoped3A : memref<!tpu.dma_semaphore, #tpu.memory_space<semaphore_mem>>) src(%arg15 : memref<512xf32, #tpu.memory_space<vmem>>) dst(%dma_wait3A_243 : memref<512xf32, #tpu.memory_space<hbm>>)
      tpu.yield
    }) : () -> ()
    return
  }
}

</mosaic_0001>

<sc_bundles>
// kernel: kernel.3.cloned.1.call-start
scs
__scs_entry_jumppad:
0x0: {  	(pc) =	sbr.rel $0x88, $3  }
0x1: {  	(tag) =	ssettag $0x0;
	lr =	simm.s32 $0x1  }
0x2: {  	[smem:$0x3F9E] =	sst lr;
	_ =	strace $0xD0000000  }
0x3: {  	_ = 	snop  }
0x4: {  	_ = 	snop  }
0x5: {  	_ = 	snop  }
0x6: {  	_ = 	snop  }
0x7: {  	_ = 	snop  }
__scs_overlays_trampoline_lowered:
0x8: {  	[smem:$0x3FAD] =	sst s0  }
0x9: {  	[smem:$0x3FAE] =	sst s1  }
0xa: {  	[smem:$0x3FAF] =	sst s2  }
0xb: {  	[smem:$0x3FB0] =	sst s3  }
0xc: {  	[smem:$0x3FB1] =	sst s4  }
0xd: {  	[smem:$0x3FB2] =	sst s5  }
0xe: {  	[smem:$0x3FB3] =	sst s6  }
0xf: {  	[smem:$0x3FB4] =	sst s7  }
0x10: {  	[smem:$0x3FB5] =	sst s8  }
0x11: {  	[smem:$0x3FB6] =	sst s9;
	s0 =	simm.s32 @!p0 $0x0  }
0x12: {  	s1 =	sld [smem:$0x3F9C];
	s0 =	simm.s32 @p0 $0x1  }
0x13: {  	[smem:$0x3FB7] =	sst s0;
	s0 =	simm.s32 @!p1 $0x0  }
0x14: {  	s2 =	sld [smem:$0x3F9B];
	s0 =	simm.s32 @p1 $0x1  }
0x15: {  	[smem:$0x3FB8] =	sst s0;
	s0 =	simm.s32 @!p2 $0x0  }
0x16: {  	s3 =	sld [smem:$0x3FDB];
	s0 =	simm.s32 @p2 $0x1  }
0x17: {  	s4 =	simm.s32 $0x1BF5;
	[smem:$0x3FBA] =	sst s0  }
0x18: {  	s0 =	sld [smem:$0x3F9D];
	_ =	swait.ge [sflag:s4], $0x0  }
0x19: {  	s7 =	sld [smem:$0x3F9E]  }
0x1a: {  	s8 =	sadd.s32 $0xFFFFE003, lr  }
0x1b: {  	s9 =	sadd.s32 $0xFFFFFEF7, lr;
	s5 =	simm.s32 $0xFFFFFFFF;
	p2 =	slt.u32 s8, $0xFFFFF086  }
0x1c: {  	p1 =	slt.u32 s9, $0xF7A;
	s5 =	simm.s32 @!p2 $0x0  }
0x1d: {  	s5 =	simm.s32 @p1 $0x1;
	p0 =	seq.s32 s7, s2  }
0x1e: {  	s7 =	smul.u32 @!p0 $0xF7A, s2;
	p2 =	seq.s32 @!p0 s5, $0x0  }
0x1f: {  	s9 =	smul.u32 $0xF7A, s1;
	s8 =	simm.s32 @!p0 $0x1BF5;
	p2 =	por !p2, p0  }
0x20: {  	[sflag:s8] =	ssyncset.s32 @!p0 $0xFFFFF086;
	s6 =	sadd.s32 @!p0 s3, s7;
	s7 =	simm.s32 @!p0 $0x108  }
0x21: {  	s3 =	sadd.s32 s3, s9;
	s6 =	sadd.s32 @!p0 $0x88, s6;
	s7 =	simm.s32 @p2 $0x1082  }
0x22: {  	[simem:s7], [sflag:s8] =	dma.local @!p0 [hbm:s6], $0xF7A  }
0x23: {  	s9 =	sor.u32 $0xD0000000, s2;
	s6 =	simm.s32 $0x108;
	_ =	swait.ge @!p0 [sflag:s8], $0x0  }
0x24: {  	s3 =	sadd.s32 $0x88, s3;
	s6 =	simm.s32 @!p1 $0x1082;
	[sflag:s4] =	ssyncset.s32 $0xFFFFF086  }
0x25: {  	[simem:s6], [sflag:s4] =	dma.local [hbm:s3], $0xF7A  }
0x26: {  	[smem:$0x3F9E] =	sst s1;
	(tag) =	ssettag s2;
	_ =	strace s9  }
0x27: {  	s1 =	sld [smem:$0x3FAE]  }
0x28: {  	s2 =	sld [smem:$0x3FAF]  }
0x29: {  	s4 =	sld [smem:$0x3FB1]  }
0x2a: {  	p0 =	seq.s32 s5, $0x0;
	s5 =	sld [smem:$0x3FB2]  }
0x2b: {  	s6 =	sld [smem:$0x3FB3]  }
0x2c: {  	s7 =	sld [smem:$0x3FB4]  }
0x2d: {  	s3 =	simm.s32 $0x108;
	s8 =	sld [smem:$0x3FB5]  }
0x2e: {  	s3 =	simm.s32 @!p0 $0x1082;
	s9 =	sld [smem:$0x3FB6]  }
0x2f: {  	lr =	sadd.s32 s0, s3;
	s0 =	sld [smem:$0x3FAD]  }
0x30: {  	s3 =	sld [smem:$0x3FB0]  }
0x31: {  	[smem:$0x3FB9] =	sst s10  }
0x32: {  	s10 =	sld [smem:$0x3FB7];
	_ =	sdelay $0x3  }
0x33: {  	p0 =	seq.s32 s10, $0x1;
	s10 =	sld [smem:$0x3FB9];
	_ =	sdelay $0x3  }
0x34: {  	[smem:$0x3FB9] =	sst s10  }
0x35: {  	s10 =	sld [smem:$0x3FB8];
	_ =	sdelay $0x3  }
0x36: {  	p1 =	seq.s32 s10, $0x1;
	s10 =	sld [smem:$0x3FB9];
	_ =	sdelay $0x3  }
0x37: {  	[smem:$0x3FB9] =	sst s10  }
0x38: {  	s10 =	sld [smem:$0x3FBA]  }
0x39: {  	_ = 	snop;
	(pc) =	sbr.ind lr, $3  }
0x3a: {  	_ = 	snop  }
0x3b: {  	_ = 	snop  }
0x3c: {  	p2 =	seq.s32 s10, $0x1;
	s10 =	sld [smem:$0x3FB9]  }
0x3d: {  	_ =	shalt  }
0x3e: {  	_ =	shalt  }
0x3f: {  	_ =	shalt  }
0x40: {  	_ =	shalt  }
0x41: {  	_ =	shalt  }
0x42: {  	_ =	shalt  }
0x43: {  	_ =	shalt  }
0x44: {  	_ =	shalt  }
0x45: {  	_ =	shalt  }
0x46: {  	_ =	shalt  }
0x47: {  	_ =	shalt  }
0x48: {  	_ =	shalt  }
0x49: {  	_ =	shalt  }
0x4a: {  	_ =	shalt  }
0x4b: {  	_ =	shalt  }
0x4c: {  	_ =	shalt  }
0x4d: {  	_ =	shalt  }
0x4e: {  	_ =	shalt  }
0x4f: {  	_ =	shalt  }
0x50: {  	_ =	shalt  }
0x51: {  	_ =	shalt  }
0x52: {  	_ =	shalt  }
0x53: {  	_ =	shalt  }
0x54: {  	_ =	shalt  }
0x55: {  	_ =	shalt  }
0x56: {  	_ =	shalt  }
0x57: {  	_ =	shalt  }
0x58: {  	_ =	shalt  }
0x59: {  	_ =	shalt  }
0x5a: {  	_ =	shalt  }
0x5b: {  	_ =	shalt  }
0x5c: {  	_ =	shalt  }
0x5d: {  	_ =	shalt  }
0x5e: {  	_ =	shalt  }
0x5f: {  	_ =	shalt  }
0x60: {  	_ =	shalt  }
0x61: {  	_ =	shalt  }
0x62: {  	_ =	shalt  }
0x63: {  	_ =	shalt  }
0x64: {  	_ =	shalt  }
0x65: {  	_ =	shalt  }
0x66: {  	_ =	shalt  }
0x67: {  	_ =	shalt  }
0x68: {  	_ =	shalt  }
0x69: {  	_ =	shalt  }
0x6a: {  	_ =	shalt  }
0x6b: {  	_ =	shalt  }
0x6c: {  	_ =	shalt  }
0x6d: {  	_ =	shalt  }
0x6e: {  	_ =	shalt  }
0x6f: {  	_ =	shalt  }
0x70: {  	_ =	shalt  }
0x71: {  	_ =	shalt  }
0x72: {  	_ =	shalt  }
0x73: {  	_ =	shalt  }
0x74: {  	_ =	shalt  }
0x75: {  	_ =	shalt  }
0x76: {  	_ =	shalt  }
0x77: {  	_ =	shalt  }
0x78: {  	_ =	shalt  }
0x79: {  	_ =	shalt  }
0x7a: {  	_ =	shalt  }
0x7b: {  	_ =	shalt  }
0x7c: {  	_ =	shalt  }
0x7d: {  	_ =	shalt  }
0x7e: {  	_ =	shalt  }
0x7f: {  	_ =	shalt  }
0x80: {  	_ =	shalt  }
0x81: {  	_ =	shalt  }
0x82: {  	_ =	shalt  }
0x83: {  	_ =	shalt  }
0x84: {  	_ =	shalt  }
0x85: {  	_ =	shalt  }
0x86: {  	_ =	shalt  }
0x87: {  	_ =	shalt  }
.Lfunc_end0:
.L_simem_size_0:
called_computation_lowered:
.L_overlay_start_0:
0x88: {  	s2 =	sld [smem:$0x3FD9]  }
0x89: {  	s3 =	sld [smem:$0x3FFE];
	_ =	sdelay $0x1  }
0x8a: {  	s1 =	srdreg.scid  }
0x8b: {  	s0 =	sand.u32 $0x1, s1  }
0x8c: {  	s17 =	sshll.u32 s0, $0xA;
	s2 =	sadd.s32 s3, s2  }
0x8d: {  	s2 =	sadd.s32 s2, s17  }
0x8e: {  	[smem:$0x3FC5] =	sst s2  }
0x8f: {  	_ = 	snop  }
0x90: {  	s2 =	sld [smem:$0x3FC9]  }
0x91: {  	s18 =	sld [smem:$0x3FD0];
	(tm) =	ssettm $0x1  }
0x92: {  	s4 =	sld [smem:$0x3FFB];
	_ =	sdelay $0x3  }
0x93: {  	_ =	strace s4  }
0x94: {  	s4 =	sld [smem:$0x3FFC];
	_ =	sdelay $0x3  }
0x95: {  	_ =	strace s4  }
0x96: {  	s4 =	sld [smem:$0x3FFD];
	_ =	sdelay $0x3  }
0x97: {  	_ =	strace s4  }
0x98: {  	_ =	strace $0x8FFFFFFF  }
0x99: {  	s19 =	sld [smem:$0x3FDB];
	_ =	sdelay $0x1  }
0x9a: {  	s5 =	simm.s32 $_scs_section_size  }
0x9b: {  	s6 =	simm.s32 $_size__tile_overlayer_lowered;
	s7 =	simm.s32 $_tile_overlayer_lowered  }
0x9c: {  	s22 =	simm.s32 $0x1BFF;
	s21 =	sshll.u32 s7, $0x1;
	s4 =	sadd.s32 s5, s19  }
0x9d: {  	s8 =	simm.s32 $0x0;
	s20 =	sshll.u32 s6, $0x1;
	s6 =	sadd.s32 s21, s4  }
0x9e: {  	[timem:s8], [sflag:s22] =	dma.local [hbm:s6], s20  }
0x9f: {  	_ =	swait.ge [sflag:s22], s20  }
0xa0: {  	s5 =	ssub.s32 $0x0, s20;
	[sflag:s22] =	ssyncset.done $0x0  }
0xa1: {  	[sflag:s22] =	ssyncadd.s32 s5;
	_ =	sdelay $0x1  }
0xa2: {  	s23 =	simm.s32 $0x1B8B  }
0xa3: {  	_ =	swait.ge [sflag:s23], $0x1  }
0xa4: {  	[sflag:s23] =	ssyncset.done $0x0  }
0xa5: {  	s25 =	simm.s32 $0x1B8E;
	s24 =	sld [smem:$0x3FFE];
	[sflag:s23] =	ssyncadd.s32 $0xFFFFFFFF  }
0xa6: {  	s26 =	simm.s32 $execute0_lowered;
	[smem:$0x3FD2] =	sst s25  }
0xa7: {  	s6 =	sshll.u32 s26, $0x1;
	_ =	strace $0x80000046;
	[dreg:$0x1] =	wrdreg $0xFFFFFFFF  }
0xa8: {  	s28 =	simm.s32 $_size_execute0_lowered;
	s4 =	sadd.s32 s4, s6;
	[dreg:$0x0] =	wrdreg $0x0  }
0xa9: {  	s6 =	sshll.u32 s28, $0x1;
	[dreg:$0x2] =	wrdreg s4  }
0xaa: {  	[dreg:$0x3] =	wrdreg s6  }
0xab: {  	[dreg:$0x4] =	wrdreg $0xC0  }
0xac: {  	_ =	task [dreg:s8], $0x5FFFF  }
0xad: {  	[dreg:$0x1] =	wrdreg $0xFFFFFFFF  }
0xae: {  	[dreg:$0x0] =	wrdreg $0x60  }
0xaf: {  	[dreg:$0x2] =	wrdreg s2  }
0xb0: {  	[dreg:$0x3] =	wrdreg s24  }
0xb1: {  	[dreg:$0x4] =	wrdreg s18  }
0xb2: {  	[dreg:$0x5] =	wrdreg $0x9  }
0xb3: {  	_ =	task.clear_ibuf [dreg:s8], $0x6FFFF;
	_ =	strace $0x90000046  }
0xb4: {  	s29 =	simm.s32 $0x9;
	_ =	strace $0x80000048  }
0xb5: {  	_ =	swait.ge [sflag:s29], $0x1  }
0xb6: {  	[sflag:s29] =	ssyncadd.s32 $0xFFFFFFFF  }
0xb7: {  	_ =	strace $0x90000048  }
0xb8: {  	_ =	sfence  }
0xb9: {  	s30 =	sld [smem:$0x0];
	_ =	sdelay $0x2  }
0xba: {  	s31 =	sshll.u32 s1, $0xD;
	s1 =	sshrl.u32 s1, $0x2  }
0xbb: {  	s3 =	sand.u32 $0x4000, s31;
	s1 =	sadd.s32 s1, s30  }
0xbc: {  	s0 =	sor.u32 s3, s0;
	s1 =	sshll.u32 s1, $0x11  }
0xbd: {  	s0 =	sor.u32 s1, s0  }
0xbe: {  	s0 =	sadd.s32 $0x8F2B, s0  }
0xbf: {  	[sflag:s0] =	ssyncadd.remote.s32 $0x1  }
0xc0: {  	_ =	sfence.sel $0xFFFF  }
0xc1: {  	[dreg:$0x0] =	wrdreg $0xFFFFFFFF;
	(pc) =	sbr.abs _section_cstart, $3  }
0xc2: {  	[dreg:$0x1] =	wrdreg $0xFFFFFFFF  }
0xc3: {  	_ =	task.clear_ibuf [dreg:s8], $0x2FFFF;
	_ =	strace $0x9FFFFFFF  }
0xc4: {  	(tm) =	ssettm $0x7FFFFFFF  }
0xc5: {  	_ =	shalt  }
tec
execute0_lowered:
.L_overlay_start_1:
0x0: {  	(tag) =	ssettag $0x1  }
0x1: {  	s0 =	rddreg [dreg:$0x0]  }
0x2: {  	s1 =	rddreg [dreg:$0x1]  }
0x3: {  	s13 =	rddreg [dreg:$0x2]  }
0x4: {  	s3 =	srdreg.scid;
	s2 =	simm.s32 $0x0;
	s4 =	stileid.u32  }
0x5: {  	s15 =	simm.s32 $0x400;
	s16 =	simm.s32 $0x20000;
	s24 =	simm.s32 $0x1  }
0x6: {  	s29 =	simm.s32 $0x2;
	s18 =	simm.s32 $0x4;
	s22 =	simm.s32 $0x9  }
0x7: {  	s23 =	simm.s32 $0x5;
	s28 =	simm.s32 $0x7;
	s30 =	simm.s32 $0x8  }
0x8: {  	s3 =	sand.u32 $0x1, s3;
	[smem:$0x7FF] =	sst s2;
	s4 =	sshll.u32 s4, $0xA  }
0x9: {  	s25 =	sadd.s32 $0x4FA00, s1;
	s5 =	sshll.u32 s3, $0x9;
	_ =	strace $0x80000047  }
0xa: {  	s6 =	ssub.s32 $0x2, s3;
	[dreg:$0x4] =	wrdreg s25;
	s25 =	simm.s32 $0xD00  }
0xb: {  	s12 =	sor.u32 s5, s4;
	s7 =	sshrl.u32 s6, $0x1;
	s5 =	sadd.s32 $0x400, s1  }
0xc: {  	s1 =	simm.s32 $0x0;
	s4 =	sadd.s32 s0, s12;
	s26 =	ssub.s32 s6, s7  }
0xd: {  	s31 =	sshrl.u32 s12, $0x3;
	s0 =	simm.s32 $0x3;
	s6 =	sadd.s32 $0xC000, s4  }
0xe: {  	s7 =	sadd.s32 $0x80, s4;
	s8 =	sadd.s32 $0xC080, s4;
	s9 =	sadd.s32 $0x100, s4  }
0xf: {  	s10 =	sadd.s32 $0xC100, s4;
	s11 =	sadd.s32 $0x180, s4;
	s12 =	sadd.s32 $0xC180, s4  }
0x10: {  	s13 =	sadd.s32 s13, s31;
	s14 =	smax.u32 s26, $0x1;
	s26 =	simm.s32 $0x6  }
.LBB2_1:
0x11: {  	[tilespmem:s2], [sflag:$0x1] =	stream.strided.gather [hbm4b:s4+s15], $0xC00, s16, s15, $0x38;
	[tilespmem:$0xAA80] =	vst v63  }
0x12: {  	s3 =	simm.s32 $0xC00  }
0x13: {  	[tilespmem:s3], [sflag:$0x1] =	stream.linear.gather [hbm4b:s6+s2], $0x100, $0x38;
	[tilespmem:$0xAA80] =	vst v63  }
0x14: {  	s21 =	simm.s32 $0x1000  }
0x15: {  	[tilespmem:s21], [sflag:$0x2] =	stream.strided.gather [hbm4b:s7+s15], $0xC00, s16, s15, $0x38;
	[tilespmem:$0xAA80] =	vst v63  }
0x16: {  	s31 =	simm.s32 $0x1C00  }
0x17: {  	[tilespmem:s31], [sflag:$0x2] =	stream.linear.gather [hbm4b:s8+s2], $0x100, $0x38;
	[tilespmem:$0xAA80] =	vst v63  }
0x18: {  	s17 =	simm.s32 $0x2000  }
0x19: {  	[tilespmem:s17], [sflag:$0x3] =	stream.strided.gather [hbm4b:s9+s15], $0xC00, s16, s15, $0x38;
	[tilespmem:$0xAA80] =	vst v63  }
0x1a: {  	s19 =	simm.s32 $0x2C00  }
0x1b: {  	[tilespmem:s19], [sflag:$0x3] =	stream.linear.gather [hbm4b:s10+s2], $0x100, $0x38;
	[tilespmem:$0xAA80] =	vst v63  }
0x1c: {  	s20 =	simm.s32 $0x3000  }
0x1d: {  	[tilespmem:s20], [sflag:$0x4] =	stream.strided.gather [hbm4b:s11+s15], $0xC00, s16, s15, $0x38;
	[tilespmem:$0xAA80] =	vst v63  }
0x1e: {  	s21 =	simm.s32 $0x3C00  }
0x1f: {  	[tilespmem:s21], [sflag:$0x4] =	stream.linear.gather [hbm4b:s12+s2], $0x100, $0x38;
	[tilespmem:$0xAA80] =	vst v63  }
0x20: {  	s17 =	simm.s32 $0x0;
	_ =	swait.ge [sflag:s24], $0xD00  }
0x21: {  	s19 =	sand.u32 $0x40, s2;
	s20 =	sand.u32 $0x3FFFFF80, s17;
	[sflag:s24] =	ssyncset.done $0x0  }
0x22: {  	s17 =	sor.u32 s19, s20;
	[sflag:s24] =	ssyncadd.s32 $0xFFFFF300  }
0x23: {  	v0 =	vld [tilespmem:s17+$0x0];
	_ =	sdelay $0x1  }
0x24: {  	s31 =	simm.s32 $0x0  }
0x25: {  	s19 =	smul.u32 $0x186A0, s31  }
0x26: {  	s21 =	simm.s32 $0x10  }
0x27: {  	s21 =	sand.u32 $0x50, s21;
	s17 =	simm.s32 $0x4020;
	v0 =	vadd.s32 s19, v0  }
0x28: {  	s21 =	sor.u32 s21, s20;
	[tilespmem:s17+$0xFFFFFFE0] =	vst v0  }
0x29: {  	v0 =	vld [tilespmem:s21+$0x0];
	_ =	sdelay $0x3  }
0x2a: {  	s3 =	simm.s32 $0x20  }
0x2b: {  	s21 =	sand.u32 $0x60, s3;
	v0 =	vadd.s32 s19, v0  }
0x2c: {  	s21 =	sor.u32 s21, s20;
	[tilespmem:s17+$0xFFFFFFF0] =	vst v0  }
0x2d: {  	v0 =	vld [tilespmem:s21+$0x0];
	_ =	sdelay $0x3  }
0x2e: {  	s31 =	simm.s32 $0x30  }
0x2f: {  	s21 =	sand.u32 $0x70, s31;
	v0 =	vadd.s32 s19, v0  }
0x30: {  	s21 =	sor.u32 s21, s20;
	[tilespmem:s17+$0x0] =	vst v0  }
0x31: {  	s20 =	simm.s32 $0x0;
	v0 =	vld [tilespmem:s21+$0x0];
	s21 =	simm.s32 $0x0  }
.LBB2_2:
0x32: {  	_ =	sdelay $0x1  }
0x33: {  	s20 =	sadd.s32 $0x4, s20  }
0x34: {  	s21 =	sadd.s32 $0x40, s21;
	s31 =	sshll.u32 s20, $0x4;
	p0 =	slt.u32 s20, $0xCC  }
0x35: {  	s3 =	sand.u32 $0x40, s21;
	s31 =	sand.u32 $0x3FFFFF80, s31;
	v0 =	vadd.s32 s19, v0  }
0x36: {  	s3 =	sor.u32 s3, s31;
	[tilespmem:s17+$0x10] =	vst v0  }
0x37: {  	v0 =	vld [tilespmem:s3+$0x0];
	_ =	sdelay $0x1  }
0x38: {  	s3 =	sshrl.u32 s20, $0x3  }
0x39: {  	s19 =	smul.u32 $0x186A0, s3  }
0x3a: {  	s3 =	sadd.s32 $0x10, s21  }
0x3b: {  	s17 =	sadd.s32 $0x40, s17;
	s3 =	sand.u32 $0x50, s3;
	v0 =	vadd.s32 s19, v0  }
0x3c: {  	s3 =	sor.u32 s3, s31;
	[tilespmem:s17+$0xFFFFFFE0] =	vst v0  }
0x3d: {  	v0 =	vld [tilespmem:s3+$0x0];
	_ =	sdelay $0x3  }
0x3e: {  	s3 =	sadd.s32 $0x20, s21  }
0x3f: {  	s3 =	sand.u32 $0x60, s3;
	v0 =	vadd.s32 s19, v0  }
0x40: {  	s3 =	sor.u32 s3, s31;
	[tilespmem:s17+$0xFFFFFFF0] =	vst v0  }
0x41: {  	v0 =	vld [tilespmem:s3+$0x0];
	_ =	sdelay $0x2  }
.Ltmp0:
0x42: {  	(pc) =	sbr.rel @p0 .LBB2_2-.Ltmp0, $4  }
0x43: {  	s3 =	sadd.s32 $0x30, s21  }
0x44: {  	s3 =	sand.u32 $0x70, s3;
	v0 =	vadd.s32 s19, v0  }
0x45: {  	s3 =	sor.u32 s3, s31;
	[tilespmem:s17+$0x0] =	vst v0  }
0x46: {  	v0 =	vld [tilespmem:s3+$0x0]  }
0x47: {  	_ =	sdelay $0x3  }
0x48: {  	v0 =	vadd.s32 s19, v0  }
0x49: {  	s3 =	simm.s32 $0x4000;
	s31 =	simm.s32 $0x7400;
	s19 =	simm.s32 $0x0;
	[tilespmem:s17+$0x10] =	vst v0  }
0x4a: {  	[tilespmem:s31], [sflag:$0x5] =	stream.indirect.gather [hbm4b:s5+s25], $0x1, s3, s25, $0xb8;
	[tilespmem:$0xAA80] =	vst v63  }
0x4b: {  	s17 =	simm.s32 $0x0;
	s3 =	sand.u32 $0x3FFFFF80, s19;
	_ =	swait.ge [sflag:s29], $0xD00  }
0x4c: {  	s20 =	sand.u32 $0x40, s17;
	s3 =	sadd.s32 $0x1000, s3;
	[sflag:s29] =	ssyncset.done $0x0  }
0x4d: {  	s19 =	sor.u32 s20, s3;
	[sflag:s29] =	ssyncadd.s32 $0xFFFFF300  }
0x4e: {  	v0 =	vld [tilespmem:s19+$0x0];
	_ =	sdelay $0x1  }
0x4f: {  	s21 =	simm.s32 $0x0  }
0x50: {  	s20 =	smul.u32 $0x186A0, s21  }
0x51: {  	s21 =	simm.s32 $0x10  }
0x52: {  	s21 =	sand.u32 $0x50, s21;
	s19 =	simm.s32 $0x4D20;
	v0 =	vadd.s32 s20, v0  }
0x53: {  	s21 =	sor.u32 s21, s3;
	[tilespmem:s19+$0xFFFFFFE0] =	vst v0  }
0x54: {  	v0 =	vld [tilespmem:s21+$0x0];
	_ =	sdelay $0x3  }
0x55: {  	s31 =	simm.s32 $0x20  }
0x56: {  	s21 =	sand.u32 $0x60, s31;
	v0 =	vadd.s32 s20, v0  }
0x57: {  	s21 =	sor.u32 s21, s3;
	[tilespmem:s19+$0xFFFFFFF0] =	vst v0  }
0x58: {  	v0 =	vld [tilespmem:s21+$0x0];
	_ =	sdelay $0x3  }
0x59: {  	s31 =	simm.s32 $0x30  }
0x5a: {  	s21 =	sand.u32 $0x70, s31;
	v0 =	vadd.s32 s20, v0  }
0x5b: {  	s3 =	sor.u32 s21, s3;
	[tilespmem:s19+$0x0] =	vst v0  }
0x5c: {  	s21 =	simm.s32 $0x0;
	v0 =	vld [tilespmem:s3+$0x0]  }
.LBB2_4:
0x5d: {  	_ = 	snop  }
0x5e: {  	s21 =	sadd.s32 $0x4, s21  }
0x5f: {  	s3 =	sshll.u32 s21, $0x4;
	p0 =	slt.u32 s21, $0xCC  }
0x60: {  	s17 =	sadd.s32 $0x40, s17;
	s3 =	sand.u32 $0x3FFFFF80, s3  }
0x61: {  	s31 =	sand.u32 $0x40, s17;
	s3 =	sadd.s32 $0x1000, s3;
	v0 =	vadd.s32 s20, v0  }
0x62: {  	s20 =	sor.u32 s31, s3;
	[tilespmem:s19+$0x10] =	vst v0  }
0x63: {  	v0 =	vld [tilespmem:s20+$0x0];
	_ =	sdelay $0x1  }
0x64: {  	s20 =	sshrl.u32 s21, $0x3  }
0x65: {  	s20 =	smul.u32 $0x186A0, s20  }
0x66: {  	s31 =	sadd.s32 $0x10, s17  }
0x67: {  	s31 =	sand.u32 $0x50, s31;
	s19 =	sadd.s32 $0x40, s19;
	v0 =	vadd.s32 s20, v0  }
0x68: {  	s31 =	sor.u32 s31, s3;
	[tilespmem:s19+$0xFFFFFFE0] =	vst v0  }
0x69: {  	v0 =	vld [tilespmem:s31+$0x0];
	_ =	sdelay $0x3  }
0x6a: {  	s31 =	sadd.s32 $0x20, s17  }
0x6b: {  	s31 =	sand.u32 $0x60, s31;
	v0 =	vadd.s32 s20, v0  }
0x6c: {  	s31 =	sor.u32 s31, s3;
	[tilespmem:s19+$0xFFFFFFF0] =	vst v0  }
0x6d: {  	v0 =	vld [tilespmem:s31+$0x0];
	_ =	sdelay $0x2  }
.Ltmp1:
0x6e: {  	(pc) =	sbr.rel @p0 .LBB2_4-.Ltmp1, $4  }
0x6f: {  	s31 =	sadd.s32 $0x30, s17  }
0x70: {  	s31 =	sand.u32 $0x70, s31;
	v0 =	vadd.s32 s20, v0  }
0x71: {  	s3 =	sor.u32 s31, s3;
	[tilespmem:s19+$0x0] =	vst v0  }
0x72: {  	v0 =	vld [tilespmem:s3+$0x0]  }
0x73: {  	_ =	sdelay $0x3  }
0x74: {  	v0 =	vadd.s32 s20, v0  }
0x75: {  	s3 =	simm.s32 $0x4D00;
	s17 =	simm.s32 $0x8100;
	[tilespmem:s19+$0x10] =	vst v0;
	s19 =	simm.s32 $0x0  }
0x76: {  	[tilespmem:s17], [sflag:$0x6] =	stream.indirect.gather [hbm4b:s5+s25], $0x1, s3, s25, $0xb8;
	[tilespmem:$0xAA80] =	vst v63  }
0x77: {  	s17 =	simm.s32 $0x0;
	s3 =	sand.u32 $0x3FFFFF80, s19;
	_ =	swait.ge [sflag:s0], $0xD00  }
0x78: {  	s20 =	sand.u32 $0x40, s17;
	s3 =	sadd.s32 $0x2000, s3;
	[sflag:s0] =	ssyncset.done $0x0  }
0x79: {  	s19 =	sor.u32 s20, s3;
	[sflag:s0] =	ssyncadd.s32 $0xFFFFF300  }
0x7a: {  	v0 =	vld [tilespmem:s19+$0x0];
	_ =	sdelay $0x1  }
0x7b: {  	s21 =	simm.s32 $0x0  }
0x7c: {  	s20 =	smul.u32 $0x186A0, s21  }
0x7d: {  	s21 =	simm.s32 $0x10  }
0x7e: {  	s21 =	sand.u32 $0x50, s21;
	s19 =	simm.s32 $0x5A20;
	v0 =	vadd.s32 s20, v0  }
0x7f: {  	s21 =	sor.u32 s21, s3;
	[tilespmem:s19+$0xFFFFFFE0] =	vst v0  }
0x80: {  	v0 =	vld [tilespmem:s21+$0x0];
	_ =	sdelay $0x3  }
0x81: {  	s31 =	simm.s32 $0x20  }
0x82: {  	s21 =	sand.u32 $0x60, s31;
	v0 =	vadd.s32 s20, v0  }
0x83: {  	s21 =	sor.u32 s21, s3;
	[tilespmem:s19+$0xFFFFFFF0] =	vst v0  }
0x84: {  	v0 =	vld [tilespmem:s21+$0x0];
	_ =	sdelay $0x3  }
0x85: {  	s31 =	simm.s32 $0x30  }
0x86: {  	s21 =	sand.u32 $0x70, s31;
	v0 =	vadd.s32 s20, v0  }
0x87: {  	s3 =	sor.u32 s21, s3;
	[tilespmem:s19+$0x0] =	vst v0  }
0x88: {  	s21 =	simm.s32 $0x0;
	v0 =	vld [tilespmem:s3+$0x0]  }
.LBB2_6:
0x89: {  	_ = 	snop  }
0x8a: {  	s21 =	sadd.s32 $0x4, s21  }
0x8b: {  	s3 =	sshll.u32 s21, $0x4;
	p0 =	slt.u32 s21, $0xCC  }
0x8c: {  	s17 =	sadd.s32 $0x40, s17;
	s3 =	sand.u32 $0x3FFFFF80, s3  }
0x8d: {  	s31 =	sand.u32 $0x40, s17;
	s3 =	sadd.s32 $0x2000, s3;
	v0 =	vadd.s32 s20, v0  }
0x8e: {  	s20 =	sor.u32 s31, s3;
	[tilespmem:s19+$0x10] =	vst v0  }
0x8f: {  	v0 =	vld [tilespmem:s20+$0x0];
	_ =	sdelay $0x1  }
0x90: {  	s20 =	sshrl.u32 s21, $0x3  }
0x91: {  	s20 =	smul.u32 $0x186A0, s20  }
0x92: {  	s31 =	sadd.s32 $0x10, s17  }
0x93: {  	s31 =	sand.u32 $0x50, s31;
	s19 =	sadd.s32 $0x40, s19;
	v0 =	vadd.s32 s20, v0  }
0x94: {  	s31 =	sor.u32 s31, s3;
	[tilespmem:s19+$0xFFFFFFE0] =	vst v0  }
0x95: {  	v0 =	vld [tilespmem:s31+$0x0];
	_ =	sdelay $0x3  }
0x96: {  	s31 =	sadd.s32 $0x20, s17  }
0x97: {  	s31 =	sand.u32 $0x60, s31;
	v0 =	vadd.s32 s20, v0  }
0x98: {  	s31 =	sor.u32 s31, s3;
	[tilespmem:s19+$0xFFFFFFF0] =	vst v0  }
0x99: {  	v0 =	vld [tilespmem:s31+$0x0];
	_ =	sdelay $0x2  }
.Ltmp2:
0x9a: {  	(pc) =	sbr.rel @p0 .LBB2_6-.Ltmp2, $4  }
0x9b: {  	s31 =	sadd.s32 $0x30, s17  }
0x9c: {  	s31 =	sand.u32 $0x70, s31;
	v0 =	vadd.s32 s20, v0  }
0x9d: {  	s3 =	sor.u32 s31, s3;
	[tilespmem:s19+$0x0] =	vst v0  }
0x9e: {  	v0 =	vld [tilespmem:s3+$0x0]  }
0x9f: {  	_ =	sdelay $0x3  }
0xa0: {  	v0 =	vadd.s32 s20, v0  }
0xa1: {  	s3 =	simm.s32 $0x5A00;
	s17 =	simm.s32 $0x8E00;
	[tilespmem:s19+$0x10] =	vst v0;
	s19 =	simm.s32 $0x0  }
0xa2: {  	[tilespmem:s17], [sflag:$0x7] =	stream.indirect.gather [hbm4b:s5+s25], $0x1, s3, s25, $0xb8;
	[tilespmem:$0xAA80] =	vst v63  }
0xa3: {  	s17 =	simm.s32 $0x0;
	s3 =	sand.u32 $0x3FFFFF80, s19;
	_ =	swait.ge [sflag:s18], $0xD00  }
0xa4: {  	s20 =	sand.u32 $0x40, s17;
	s3 =	sadd.s32 $0x3000, s3;
	[sflag:s18] =	ssyncset.done $0x0  }
0xa5: {  	s19 =	sor.u32 s20, s3;
	[sflag:s18] =	ssyncadd.s32 $0xFFFFF300  }
0xa6: {  	v0 =	vld [tilespmem:s19+$0x0];
	_ =	sdelay $0x1  }
0xa7: {  	s21 =	simm.s32 $0x0  }
0xa8: {  	s20 =	smul.u32 $0x186A0, s21  }
0xa9: {  	s21 =	simm.s32 $0x10  }
0xaa: {  	s21 =	sand.u32 $0x50, s21;
	s19 =	simm.s32 $0x6720;
	v0 =	vadd.s32 s20, v0  }
0xab: {  	s21 =	sor.u32 s21, s3;
	[tilespmem:s19+$0xFFFFFFE0] =	vst v0  }
0xac: {  	v0 =	vld [tilespmem:s21+$0x0];
	_ =	sdelay $0x3  }
0xad: {  	s31 =	simm.s32 $0x20  }
0xae: {  	s21 =	sand.u32 $0x60, s31;
	v0 =	vadd.s32 s20, v0  }
0xaf: {  	s21 =	sor.u32 s21, s3;
	[tilespmem:s19+$0xFFFFFFF0] =	vst v0  }
0xb0: {  	v0 =	vld [tilespmem:s21+$0x0];
	_ =	sdelay $0x3  }
0xb1: {  	s31 =	simm.s32 $0x30  }
0xb2: {  	s21 =	sand.u32 $0x70, s31;
	v0 =	vadd.s32 s20, v0  }
0xb3: {  	s3 =	sor.u32 s21, s3;
	[tilespmem:s19+$0x0] =	vst v0  }
0xb4: {  	s21 =	simm.s32 $0x0;
	v0 =	vld [tilespmem:s3+$0x0]  }
.LBB2_8:
0xb5: {  	_ = 	snop  }
0xb6: {  	s21 =	sadd.s32 $0x4, s21  }
0xb7: {  	s3 =	sshll.u32 s21, $0x4;
	p0 =	slt.u32 s21, $0xCC  }
0xb8: {  	s17 =	sadd.s32 $0x40, s17;
	s3 =	sand.u32 $0x3FFFFF80, s3  }
0xb9: {  	s31 =	sand.u32 $0x40, s17;
	s3 =	sadd.s32 $0x3000, s3;
	v0 =	vadd.s32 s20, v0  }
0xba: {  	s20 =	sor.u32 s31, s3;
	[tilespmem:s19+$0x10] =	vst v0  }
0xbb: {  	v0 =	vld [tilespmem:s20+$0x0];
	_ =	sdelay $0x1  }
0xbc: {  	s20 =	sshrl.u32 s21, $0x3  }
0xbd: {  	s20 =	smul.u32 $0x186A0, s20  }
0xbe: {  	s31 =	sadd.s32 $0x10, s17  }
0xbf: {  	s31 =	sand.u32 $0x50, s31;
	s19 =	sadd.s32 $0x40, s19;
	v0 =	vadd.s32 s20, v0  }
0xc0: {  	s31 =	sor.u32 s31, s3;
	[tilespmem:s19+$0xFFFFFFE0] =	vst v0  }
0xc1: {  	v0 =	vld [tilespmem:s31+$0x0];
	_ =	sdelay $0x3  }
0xc2: {  	s31 =	sadd.s32 $0x20, s17  }
0xc3: {  	s31 =	sand.u32 $0x60, s31;
	v0 =	vadd.s32 s20, v0  }
0xc4: {  	s31 =	sor.u32 s31, s3;
	[tilespmem:s19+$0xFFFFFFF0] =	vst v0  }
0xc5: {  	v0 =	vld [tilespmem:s31+$0x0];
	_ =	sdelay $0x2  }
.Ltmp3:
0xc6: {  	(pc) =	sbr.rel @p0 .LBB2_8-.Ltmp3, $4  }
0xc7: {  	s31 =	sadd.s32 $0x30, s17  }
0xc8: {  	s31 =	sand.u32 $0x70, s31;
	v0 =	vadd.s32 s20, v0  }
0xc9: {  	s3 =	sor.u32 s31, s3;
	[tilespmem:s19+$0x0] =	vst v0  }
0xca: {  	v0 =	vld [tilespmem:s3+$0x0]  }
0xcb: {  	_ =	sdelay $0x3  }
0xcc: {  	v0 =	vadd.s32 s20, v0  }
0xcd: {  	s3 =	simm.s32 $0x6700;
	s17 =	simm.s32 $0x9B00;
	[tilespmem:s19+$0x10] =	vst v0  }
0xce: {  	[tilespmem:s17], [sflag:$0x8] =	stream.indirect.gather [hbm4b:s5+s25], $0x1, s3, s25, $0xb8;
	[tilespmem:$0xAA80] =	vst v63  }
0xcf: {  	s21 =	rddreg [dreg:$0x4];
	s31 =	simm.s32 $0xAA00;
	s20 =	simm.s32 $0x0  }
0xd0: {  	[tilespmem:s31], [sflag:$0x9] =	stream.linear.gather [hbm4b:s21+s20], $0x80, $0x38;
	[tilespmem:$0xAA80] =	vst v63  }
0xd1: {  	_ =	swait.ge [sflag:s22], $0x80  }
0xd2: {  	[sflag:s22] =	ssyncset.done $0x0  }
0xd3: {  	[sflag:s22] =	ssyncadd.s32 $0xFFFFFF80  }
0xd4: {  	_ =	swait.ge [sflag:s23], $0xD00  }
0xd5: {  	[sflag:s23] =	ssyncset.done $0x0  }
0xd6: {  	s17 =	simm.s32 $0x0;
	[sflag:s23] =	ssyncadd.s32 $0xFFFFF300  }
0xd7: {  	s19 =	simm.s32 $0x40;
	v0 =	vld [tilespmem:s17+$0x7400]  }
.LBB2_10:
0xd8: {  	p0 =	sne.s32 s19, $0x1C0;
	v1 =	vld [tilespmem:$0xAA00];
	_ =	sdelay $0x1  }
0xd9: {  	v2 =	vld [tilespmem:s17+$0x7480];
	_ =	sdelay $0x1  }
0xda: {  	v3 =	vld [tilespmem:s17+$0x7500]  }
0xdb: {  	v0 =	vadd.f32 v0, v1  }
0xdc: {  	v1 =	vld [tilespmem:s17+$0x7580]  }
0xdd: {  	v0 =	vadd.f32 v2, v0  }
0xde: {  	v2 =	vld [tilespmem:s17+$0x7600]  }
0xdf: {  	v0 =	vadd.f32 v3, v0  }
0xe0: {  	v3 =	vld [tilespmem:s17+$0x7680]  }
0xe1: {  	v0 =	vadd.f32 v1, v0  }
0xe2: {  	v1 =	vld [tilespmem:s17+$0x7700]  }
0xe3: {  	v0 =	vadd.f32 v2, v0  }
0xe4: {  	v2 =	vld [tilespmem:s17+$0x7780]  }
0xe5: {  	v0 =	vadd.f32 v3, v0  }
0xe6: {  	v3 =	vld [tilespmem:s17+$0x7800]  }
0xe7: {  	v0 =	vadd.f32 v1, v0  }
0xe8: {  	v1 =	vld [tilespmem:s17+$0x7880]  }
0xe9: {  	v0 =	vadd.f32 v2, v0  }
0xea: {  	v2 =	vld [tilespmem:s17+$0x7900]  }
0xeb: {  	v0 =	vadd.f32 v3, v0  }
0xec: {  	v3 =	vld [tilespmem:s17+$0x7980]  }
0xed: {  	v0 =	vadd.f32 v1, v0  }
0xee: {  	v1 =	vld [tilespmem:s17+$0x7A00]  }
0xef: {  	v0 =	vadd.f32 v2, v0  }
0xf0: {  	v2 =	vld [tilespmem:s17+$0x7A80]  }
0xf1: {  	v0 =	vadd.f32 v3, v0  }
0xf2: {  	v3 =	vld [tilespmem:s17+$0x7B00]  }
0xf3: {  	v0 =	vadd.f32 v1, v0  }
0xf4: {  	v1 =	vld [tilespmem:s17+$0x7B80]  }
0xf5: {  	v0 =	vadd.f32 v2, v0  }
0xf6: {  	v2 =	vld [tilespmem:s17+$0x7C00]  }
0xf7: {  	v0 =	vadd.f32 v3, v0  }
0xf8: {  	v3 =	vld [tilespmem:s17+$0x7C80]  }
0xf9: {  	v0 =	vadd.f32 v1, v0  }
0xfa: {  	v1 =	vld [tilespmem:s17+$0x7D00]  }
0xfb: {  	v0 =	vadd.f32 v2, v0  }
0xfc: {  	v2 =	vld [tilespmem:s17+$0x7D80]  }
0xfd: {  	v0 =	vadd.f32 v3, v0  }
0xfe: {  	v3 =	vld [tilespmem:s17+$0x7E00]  }
0xff: {  	v0 =	vadd.f32 v1, v0  }
0x100: {  	v1 =	vld [tilespmem:s17+$0x7E80]  }
0x101: {  	v0 =	vadd.f32 v2, v0  }
0x102: {  	v2 =	vld [tilespmem:s17+$0x7F00]  }
0x103: {  	v0 =	vadd.f32 v3, v0  }
0x104: {  	v3 =	vld [tilespmem:s17+$0x7F80]  }
0x105: {  	v0 =	vadd.f32 v1, v0  }
0x106: {  	v1 =	vld [tilespmem:s17+$0x8000]  }
0x107: {  	v0 =	vadd.f32 v2, v0  }
0x108: {  	v2 =	vld [tilespmem:s17+$0x8080]  }
0x109: {  	v0 =	vadd.f32 v3, v0;
	_ =	sdelay $0x1  }
.Ltmp4:
0x10a: {  	v0 =	vadd.f32 v1, v0;
	(pc) =	sbr.rel @p0 .LBB2_10-.Ltmp4, $4  }
0x10b: {  	_ = 	snop  }
0x10c: {  	v1 =	vadd.f32 v2, v0  }
0x10d: {  	s3 =	sshra.s32 s19, $0x2  }
0x10e: {  	s19 =	sadd.s32 $0x40, s19;
	v0 =	vld [tilespmem:s3+$0x7400];
	[tilespmem:s17+$0xA800] =	vst v1;
	s17 =	smov.u32 s3  }
0x10f: {  	v1 =	vld [tilespmem:$0xAA00];
	_ =	sdelay $0x1  }
0x110: {  	v2 =	vld [tilespmem:s17+$0x7480];
	_ =	sdelay $0x1  }
0x111: {  	v3 =	vld [tilespmem:s17+$0x7500]  }
0x112: {  	v0 =	vadd.f32 v0, v1  }
0x113: {  	v1 =	vld [tilespmem:s17+$0x7580]  }
0x114: {  	v0 =	vadd.f32 v2, v0  }
0x115: {  	v2 =	vld [tilespmem:s17+$0x7600]  }
0x116: {  	v0 =	vadd.f32 v3, v0  }
0x117: {  	v3 =	vld [tilespmem:s17+$0x7680]  }
0x118: {  	v0 =	vadd.f32 v1, v0  }
0x119: {  	v1 =	vld [tilespmem:s17+$0x7700]  }
0x11a: {  	v0 =	vadd.f32 v2, v0  }
0x11b: {  	v2 =	vld [tilespmem:s17+$0x7780]  }
0x11c: {  	v0 =	vadd.f32 v3, v0  }
0x11d: {  	v3 =	vld [tilespmem:s17+$0x7800]  }
0x11e: {  	v0 =	vadd.f32 v1, v0  }
0x11f: {  	v1 =	vld [tilespmem:s17+$0x7880]  }
0x120: {  	v0 =	vadd.f32 v2, v0  }
0x121: {  	v2 =	vld [tilespmem:s17+$0x7900]  }
0x122: {  	v0 =	vadd.f32 v3, v0  }
0x123: {  	v3 =	vld [tilespmem:s17+$0x7980]  }
0x124: {  	v0 =	vadd.f32 v1, v0  }
0x125: {  	v1 =	vld [tilespmem:s17+$0x7A00]  }
0x126: {  	v0 =	vadd.f32 v2, v0  }
0x127: {  	v2 =	vld [tilespmem:s17+$0x7A80]  }
0x128: {  	v0 =	vadd.f32 v3, v0  }
0x129: {  	v3 =	vld [tilespmem:s17+$0x7B00]  }
0x12a: {  	v0 =	vadd.f32 v1, v0  }
0x12b: {  	v1 =	vld [tilespmem:s17+$0x7B80]  }
0x12c: {  	v0 =	vadd.f32 v2, v0  }
0x12d: {  	v2 =	vld [tilespmem:s17+$0x7C00]  }
0x12e: {  	v0 =	vadd.f32 v3, v0  }
0x12f: {  	v3 =	vld [tilespmem:s17+$0x7C80]  }
0x130: {  	v0 =	vadd.f32 v1, v0  }
0x131: {  	v1 =	vld [tilespmem:s17+$0x7D00]  }
0x132: {  	v0 =	vadd.f32 v2, v0  }
0x133: {  	v2 =	vld [tilespmem:s17+$0x7D80]  }
0x134: {  	v0 =	vadd.f32 v3, v0  }
0x135: {  	v3 =	vld [tilespmem:s17+$0x7E00]  }
0x136: {  	v0 =	vadd.f32 v1, v0  }
0x137: {  	v1 =	vld [tilespmem:s17+$0x7E80]  }
0x138: {  	v0 =	vadd.f32 v2, v0  }
0x139: {  	v2 =	vld [tilespmem:s17+$0x7F00]  }
0x13a: {  	v0 =	vadd.f32 v3, v0  }
0x13b: {  	v3 =	vld [tilespmem:s17+$0x7F80]  }
0x13c: {  	v0 =	vadd.f32 v1, v0  }
0x13d: {  	v1 =	vld [tilespmem:s17+$0x8000]  }
0x13e: {  	v0 =	vadd.f32 v2, v0  }
0x13f: {  	v2 =	vld [tilespmem:s17+$0x8080]  }
0x140: {  	v0 =	vadd.f32 v3, v0;
	_ =	sdelay $0x1  }
0x141: {  	v0 =	vadd.f32 v1, v0;
	_ =	sdelay $0x1  }
0x142: {  	v0 =	vadd.f32 v2, v0;
	_ =	sdelay $0x1  }
0x143: {  	[tilespmem:s17+$0xA800] =	vst v0  }
0x144: {  	_ =	swait.ge [sflag:s26], $0xD00  }
0x145: {  	[sflag:s26] =	ssyncset.done $0x0  }
0x146: {  	s17 =	simm.s32 $0x0;
	[sflag:s26] =	ssyncadd.s32 $0xFFFFF300  }
0x147: {  	s19 =	simm.s32 $0x40;
	v0 =	vld [tilespmem:s17+$0x8100]  }
.LBB2_12:
0x148: {  	p0 =	sne.s32 s19, $0x1C0;
	v1 =	vld [tilespmem:$0xAA00];
	_ =	sdelay $0x1  }
0x149: {  	v2 =	vld [tilespmem:s17+$0x8180];
	_ =	sdelay $0x1  }
0x14a: {  	v3 =	vld [tilespmem:s17+$0x8200]  }
0x14b: {  	v0 =	vadd.f32 v0, v1  }
0x14c: {  	v1 =	vld [tilespmem:s17+$0x8280]  }
0x14d: {  	v0 =	vadd.f32 v2, v0  }
0x14e: {  	v2 =	vld [tilespmem:s17+$0x8300]  }
0x14f: {  	v0 =	vadd.f32 v3, v0  }
0x150: {  	v3 =	vld [tilespmem:s17+$0x8380]  }
0x151: {  	v0 =	vadd.f32 v1, v0  }
0x152: {  	v1 =	vld [tilespmem:s17+$0x8400]  }
0x153: {  	v0 =	vadd.f32 v2, v0  }
0x154: {  	v2 =	vld [tilespmem:s17+$0x8480]  }
0x155: {  	v0 =	vadd.f32 v3, v0  }
0x156: {  	v3 =	vld [tilespmem:s17+$0x8500]  }
0x157: {  	v0 =	vadd.f32 v1, v0  }
0x158: {  	v1 =	vld [tilespmem:s17+$0x8580]  }
0x159: {  	v0 =	vadd.f32 v2, v0  }
0x15a: {  	v2 =	vld [tilespmem:s17+$0x8600]  }
0x15b: {  	v0 =	vadd.f32 v3, v0  }
0x15c: {  	v3 =	vld [tilespmem:s17+$0x8680]  }
0x15d: {  	v0 =	vadd.f32 v1, v0  }
0x15e: {  	v1 =	vld [tilespmem:s17+$0x8700]  }
0x15f: {  	v0 =	vadd.f32 v2, v0  }
0x160: {  	v2 =	vld [tilespmem:s17+$0x8780]  }
0x161: {  	v0 =	vadd.f32 v3, v0  }
0x162: {  	v3 =	vld [tilespmem:s17+$0x8800]  }
0x163: {  	v0 =	vadd.f32 v1, v0  }
0x164: {  	v1 =	vld [tilespmem:s17+$0x8880]  }
0x165: {  	v0 =	vadd.f32 v2, v0  }
0x166: {  	v2 =	vld [tilespmem:s17+$0x8900]  }
0x167: {  	v0 =	vadd.f32 v3, v0  }
0x168: {  	v3 =	vld [tilespmem:s17+$0x8980]  }
0x169: {  	v0 =	vadd.f32 v1, v0  }
0x16a: {  	v1 =	vld [tilespmem:s17+$0x8A00]  }
0x16b: {  	v0 =	vadd.f32 v2, v0  }
0x16c: {  	v2 =	vld [tilespmem:s17+$0x8A80]  }
0x16d: {  	v0 =	vadd.f32 v3, v0  }
0x16e: {  	v3 =	vld [tilespmem:s17+$0x8B00]  }
0x16f: {  	v0 =	vadd.f32 v1, v0  }
0x170: {  	v1 =	vld [tilespmem:s17+$0x8B80]  }
0x171: {  	v0 =	vadd.f32 v2, v0  }
0x172: {  	v2 =	vld [tilespmem:s17+$0x8C00]  }
0x173: {  	v0 =	vadd.f32 v3, v0  }
0x174: {  	v3 =	vld [tilespmem:s17+$0x8C80]  }
0x175: {  	v0 =	vadd.f32 v1, v0  }
0x176: {  	v1 =	vld [tilespmem:s17+$0x8D00]  }
0x177: {  	v0 =	vadd.f32 v2, v0  }
0x178: {  	v2 =	vld [tilespmem:s17+$0x8D80]  }
0x179: {  	v0 =	vadd.f32 v3, v0;
	_ =	sdelay $0x1  }
.Ltmp5:
0x17a: {  	v0 =	vadd.f32 v1, v0;
	(pc) =	sbr.rel @p0 .LBB2_12-.Ltmp5, $4  }
0x17b: {  	_ = 	snop  }
0x17c: {  	v1 =	vadd.f32 v2, v0  }
0x17d: {  	s3 =	sshra.s32 s19, $0x2  }
0x17e: {  	s19 =	sadd.s32 $0x40, s19;
	v0 =	vld [tilespmem:s3+$0x8100];
	[tilespmem:s17+$0xA880] =	vst v1;
	s17 =	smov.u32 s3  }
0x17f: {  	v1 =	vld [tilespmem:$0xAA00];
	_ =	sdelay $0x1  }
0x180: {  	v2 =	vld [tilespmem:s17+$0x8180];
	_ =	sdelay $0x1  }
0x181: {  	v3 =	vld [tilespmem:s17+$0x8200]  }
0x182: {  	v0 =	vadd.f32 v0, v1  }
0x183: {  	v1 =	vld [tilespmem:s17+$0x8280]  }
0x184: {  	v0 =	vadd.f32 v2, v0  }
0x185: {  	v2 =	vld [tilespmem:s17+$0x8300]  }
0x186: {  	v0 =	vadd.f32 v3, v0  }
0x187: {  	v3 =	vld [tilespmem:s17+$0x8380]  }
0x188: {  	v0 =	vadd.f32 v1, v0  }
0x189: {  	v1 =	vld [tilespmem:s17+$0x8400]  }
0x18a: {  	v0 =	vadd.f32 v2, v0  }
0x18b: {  	v2 =	vld [tilespmem:s17+$0x8480]  }
0x18c: {  	v0 =	vadd.f32 v3, v0  }
0x18d: {  	v3 =	vld [tilespmem:s17+$0x8500]  }
0x18e: {  	v0 =	vadd.f32 v1, v0  }
0x18f: {  	v1 =	vld [tilespmem:s17+$0x8580]  }
0x190: {  	v0 =	vadd.f32 v2, v0  }
0x191: {  	v2 =	vld [tilespmem:s17+$0x8600]  }
0x192: {  	v0 =	vadd.f32 v3, v0  }
0x193: {  	v3 =	vld [tilespmem:s17+$0x8680]  }
0x194: {  	v0 =	vadd.f32 v1, v0  }
0x195: {  	v1 =	vld [tilespmem:s17+$0x8700]  }
0x196: {  	v0 =	vadd.f32 v2, v0  }
0x197: {  	v2 =	vld [tilespmem:s17+$0x8780]  }
0x198: {  	v0 =	vadd.f32 v3, v0  }
0x199: {  	v3 =	vld [tilespmem:s17+$0x8800]  }
0x19a: {  	v0 =	vadd.f32 v1, v0  }
0x19b: {  	v1 =	vld [tilespmem:s17+$0x8880]  }
0x19c: {  	v0 =	vadd.f32 v2, v0  }
0x19d: {  	v2 =	vld [tilespmem:s17+$0x8900]  }
0x19e: {  	v0 =	vadd.f32 v3, v0  }
0x19f: {  	v3 =	vld [tilespmem:s17+$0x8980]  }
0x1a0: {  	v0 =	vadd.f32 v1, v0  }
0x1a1: {  	v1 =	vld [tilespmem:s17+$0x8A00]  }
0x1a2: {  	v0 =	vadd.f32 v2, v0  }
0x1a3: {  	v2 =	vld [tilespmem:s17+$0x8A80]  }
0x1a4: {  	v0 =	vadd.f32 v3, v0  }
0x1a5: {  	v3 =	vld [tilespmem:s17+$0x8B00]  }
0x1a6: {  	v0 =	vadd.f32 v1, v0  }
0x1a7: {  	v1 =	vld [tilespmem:s17+$0x8B80]  }
0x1a8: {  	v0 =	vadd.f32 v2, v0  }
0x1a9: {  	v2 =	vld [tilespmem:s17+$0x8C00]  }
0x1aa: {  	v0 =	vadd.f32 v3, v0  }
0x1ab: {  	v3 =	vld [tilespmem:s17+$0x8C80]  }
0x1ac: {  	v0 =	vadd.f32 v1, v0  }
0x1ad: {  	v1 =	vld [tilespmem:s17+$0x8D00]  }
0x1ae: {  	v0 =	vadd.f32 v2, v0  }
0x1af: {  	v2 =	vld [tilespmem:s17+$0x8D80]  }
0x1b0: {  	v0 =	vadd.f32 v3, v0;
	_ =	sdelay $0x1  }
0x1b1: {  	v0 =	vadd.f32 v1, v0;
	_ =	sdelay $0x1  }
0x1b2: {  	v0 =	vadd.f32 v2, v0;
	_ =	sdelay $0x1  }
0x1b3: {  	[tilespmem:s17+$0xA880] =	vst v0  }
0x1b4: {  	_ =	swait.ge [sflag:s28], $0xD00  }
0x1b5: {  	[sflag:s28] =	ssyncset.done $0x0  }
0x1b6: {  	s17 =	simm.s32 $0x0;
	[sflag:s28] =	ssyncadd.s32 $0xFFFFF300  }
0x1b7: {  	s19 =	simm.s32 $0x40;
	v0 =	vld [tilespmem:s17+$0x8E00]  }
.LBB2_14:
0x1b8: {  	p0 =	sne.s32 s19, $0x1C0;
	v1 =	vld [tilespmem:$0xAA00];
	_ =	sdelay $0x1  }
0x1b9: {  	v2 =	vld [tilespmem:s17+$0x8E80];
	_ =	sdelay $0x1  }
0x1ba: {  	v3 =	vld [tilespmem:s17+$0x8F00]  }
0x1bb: {  	v0 =	vadd.f32 v0, v1  }
0x1bc: {  	v1 =	vld [tilespmem:s17+$0x8F80]  }
0x1bd: {  	v0 =	vadd.f32 v2, v0  }
0x1be: {  	v2 =	vld [tilespmem:s17+$0x9000]  }
0x1bf: {  	v0 =	vadd.f32 v3, v0  }
0x1c0: {  	v3 =	vld [tilespmem:s17+$0x9080]  }
0x1c1: {  	v0 =	vadd.f32 v1, v0  }
0x1c2: {  	v1 =	vld [tilespmem:s17+$0x9100]  }
0x1c3: {  	v0 =	vadd.f32 v2, v0  }
0x1c4: {  	v2 =	vld [tilespmem:s17+$0x9180]  }
0x1c5: {  	v0 =	vadd.f32 v3, v0  }
0x1c6: {  	v3 =	vld [tilespmem:s17+$0x9200]  }
0x1c7: {  	v0 =	vadd.f32 v1, v0  }
0x1c8: {  	v1 =	vld [tilespmem:s17+$0x9280]  }
0x1c9: {  	v0 =	vadd.f32 v2, v0  }
0x1ca: {  	v2 =	vld [tilespmem:s17+$0x9300]  }
0x1cb: {  	v0 =	vadd.f32 v3, v0  }
0x1cc: {  	v3 =	vld [tilespmem:s17+$0x9380]  }
0x1cd: {  	v0 =	vadd.f32 v1, v0  }
0x1ce: {  	v1 =	vld [tilespmem:s17+$0x9400]  }
0x1cf: {  	v0 =	vadd.f32 v2, v0  }
0x1d0: {  	v2 =	vld [tilespmem:s17+$0x9480]  }
0x1d1: {  	v0 =	vadd.f32 v3, v0  }
0x1d2: {  	v3 =	vld [tilespmem:s17+$0x9500]  }
0x1d3: {  	v0 =	vadd.f32 v1, v0  }
0x1d4: {  	v1 =	vld [tilespmem:s17+$0x9580]  }
0x1d5: {  	v0 =	vadd.f32 v2, v0  }
0x1d6: {  	v2 =	vld [tilespmem:s17+$0x9600]  }
0x1d7: {  	v0 =	vadd.f32 v3, v0  }
0x1d8: {  	v3 =	vld [tilespmem:s17+$0x9680]  }
0x1d9: {  	v0 =	vadd.f32 v1, v0  }
0x1da: {  	v1 =	vld [tilespmem:s17+$0x9700]  }
0x1db: {  	v0 =	vadd.f32 v2, v0  }
0x1dc: {  	v2 =	vld [tilespmem:s17+$0x9780]  }
0x1dd: {  	v0 =	vadd.f32 v3, v0  }
0x1de: {  	v3 =	vld [tilespmem:s17+$0x9800]  }
0x1df: {  	v0 =	vadd.f32 v1, v0  }
0x1e0: {  	v1 =	vld [tilespmem:s17+$0x9880]  }
0x1e1: {  	v0 =	vadd.f32 v2, v0  }
0x1e2: {  	v2 =	vld [tilespmem:s17+$0x9900]  }
0x1e3: {  	v0 =	vadd.f32 v3, v0  }
0x1e4: {  	v3 =	vld [tilespmem:s17+$0x9980]  }
0x1e5: {  	v0 =	vadd.f32 v1, v0  }
0x1e6: {  	v1 =	vld [tilespmem:s17+$0x9A00]  }
0x1e7: {  	v0 =	vadd.f32 v2, v0  }
0x1e8: {  	v2 =	vld [tilespmem:s17+$0x9A80]  }
0x1e9: {  	v0 =	vadd.f32 v3, v0;
	_ =	sdelay $0x1  }
.Ltmp6:
0x1ea: {  	v0 =	vadd.f32 v1, v0;
	(pc) =	sbr.rel @p0 .LBB2_14-.Ltmp6, $4  }
0x1eb: {  	_ = 	snop  }
0x1ec: {  	v1 =	vadd.f32 v2, v0  }
0x1ed: {  	s3 =	sshra.s32 s19, $0x2  }
0x1ee: {  	s19 =	sadd.s32 $0x40, s19;
	v0 =	vld [tilespmem:s3+$0x8E00];
	[tilespmem:s17+$0xA900] =	vst v1;
	s17 =	smov.u32 s3  }
0x1ef: {  	v1 =	vld [tilespmem:$0xAA00];
	_ =	sdelay $0x1  }
0x1f0: {  	v2 =	vld [tilespmem:s17+$0x8E80];
	_ =	sdelay $0x1  }
0x1f1: {  	v3 =	vld [tilespmem:s17+$0x8F00]  }
0x1f2: {  	v0 =	vadd.f32 v0, v1  }
0x1f3: {  	v1 =	vld [tilespmem:s17+$0x8F80]  }
0x1f4: {  	v0 =	vadd.f32 v2, v0  }
0x1f5: {  	v2 =	vld [tilespmem:s17+$0x9000]  }
0x1f6: {  	v0 =	vadd.f32 v3, v0  }
0x1f7: {  	v3 =	vld [tilespmem:s17+$0x9080]  }
0x1f8: {  	v0 =	vadd.f32 v1, v0  }
0x1f9: {  	v1 =	vld [tilespmem:s17+$0x9100]  }
0x1fa: {  	v0 =	vadd.f32 v2, v0  }
0x1fb: {  	v2 =	vld [tilespmem:s17+$0x9180]  }
0x1fc: {  	v0 =	vadd.f32 v3, v0  }
0x1fd: {  	v3 =	vld [tilespmem:s17+$0x9200]  }
0x1fe: {  	v0 =	vadd.f32 v1, v0  }
0x1ff: {  	v1 =	vld [tilespmem:s17+$0x9280]  }
0x200: {  	v0 =	vadd.f32 v2, v0  }
0x201: {  	v2 =	vld [tilespmem:s17+$0x9300]  }
0x202: {  	v0 =	vadd.f32 v3, v0  }
0x203: {  	v3 =	vld [tilespmem:s17+$0x9380]  }
0x204: {  	v0 =	vadd.f32 v1, v0  }
0x205: {  	v1 =	vld [tilespmem:s17+$0x9400]  }
0x206: {  	v0 =	vadd.f32 v2, v0  }
0x207: {  	v2 =	vld [tilespmem:s17+$0x9480]  }
0x208: {  	v0 =	vadd.f32 v3, v0  }
0x209: {  	v3 =	vld [tilespmem:s17+$0x9500]  }
0x20a: {  	v0 =	vadd.f32 v1, v0  }
0x20b: {  	v1 =	vld [tilespmem:s17+$0x9580]  }
0x20c: {  	v0 =	vadd.f32 v2, v0  }
0x20d: {  	v2 =	vld [tilespmem:s17+$0x9600]  }
0x20e: {  	v0 =	vadd.f32 v3, v0  }
0x20f: {  	v3 =	vld [tilespmem:s17+$0x9680]  }
0x210: {  	v0 =	vadd.f32 v1, v0  }
0x211: {  	v1 =	vld [tilespmem:s17+$0x9700]  }
0x212: {  	v0 =	vadd.f32 v2, v0  }
0x213: {  	v2 =	vld [tilespmem:s17+$0x9780]  }
0x214: {  	v0 =	vadd.f32 v3, v0  }
0x215: {  	v3 =	vld [tilespmem:s17+$0x9800]  }
0x216: {  	v0 =	vadd.f32 v1, v0  }
0x217: {  	v1 =	vld [tilespmem:s17+$0x9880]  }
0x218: {  	v0 =	vadd.f32 v2, v0  }
0x219: {  	v2 =	vld [tilespmem:s17+$0x9900]  }
0x21a: {  	v0 =	vadd.f32 v3, v0  }
0x21b: {  	v3 =	vld [tilespmem:s17+$0x9980]  }
0x21c: {  	v0 =	vadd.f32 v1, v0  }
0x21d: {  	v1 =	vld [tilespmem:s17+$0x9A00]  }
0x21e: {  	v0 =	vadd.f32 v2, v0  }
0x21f: {  	v2 =	vld [tilespmem:s17+$0x9A80]  }
0x220: {  	v0 =	vadd.f32 v3, v0;
	_ =	sdelay $0x1  }
0x221: {  	v0 =	vadd.f32 v1, v0;
	_ =	sdelay $0x1  }
0x222: {  	v0 =	vadd.f32 v2, v0;
	_ =	sdelay $0x1  }
0x223: {  	[tilespmem:s17+$0xA900] =	vst v0  }
0x224: {  	_ =	swait.ge [sflag:s30], $0xD00  }
0x225: {  	[sflag:s30] =	ssyncset.done $0x0  }
0x226: {  	s17 =	simm.s32 $0x0;
	[sflag:s30] =	ssyncadd.s32 $0xFFFFF300  }
0x227: {  	s19 =	simm.s32 $0x40;
	v0 =	vld [tilespmem:s17+$0x9B00]  }
.LBB2_16:
0x228: {  	p0 =	sne.s32 s19, $0x1C0;
	v1 =	vld [tilespmem:$0xAA00];
	_ =	sdelay $0x1  }
0x229: {  	v2 =	vld [tilespmem:s17+$0x9B80];
	_ =	sdelay $0x1  }
0x22a: {  	v3 =	vld [tilespmem:s17+$0x9C00]  }
0x22b: {  	v0 =	vadd.f32 v0, v1  }
0x22c: {  	v1 =	vld [tilespmem:s17+$0x9C80]  }
0x22d: {  	v0 =	vadd.f32 v2, v0  }
0x22e: {  	v2 =	vld [tilespmem:s17+$0x9D00]  }
0x22f: {  	v0 =	vadd.f32 v3, v0  }
0x230: {  	v3 =	vld [tilespmem:s17+$0x9D80]  }
0x231: {  	v0 =	vadd.f32 v1, v0  }
0x232: {  	v1 =	vld [tilespmem:s17+$0x9E00]  }
0x233: {  	v0 =	vadd.f32 v2, v0  }
0x234: {  	v2 =	vld [tilespmem:s17+$0x9E80]  }
0x235: {  	v0 =	vadd.f32 v3, v0  }
0x236: {  	v3 =	vld [tilespmem:s17+$0x9F00]  }
0x237: {  	v0 =	vadd.f32 v1, v0  }
0x238: {  	v1 =	vld [tilespmem:s17+$0x9F80]  }
0x239: {  	v0 =	vadd.f32 v2, v0  }
0x23a: {  	v2 =	vld [tilespmem:s17+$0xA000]  }
0x23b: {  	v0 =	vadd.f32 v3, v0  }
0x23c: {  	v3 =	vld [tilespmem:s17+$0xA080]  }
0x23d: {  	v0 =	vadd.f32 v1, v0  }
0x23e: {  	v1 =	vld [tilespmem:s17+$0xA100]  }
0x23f: {  	v0 =	vadd.f32 v2, v0  }
0x240: {  	v2 =	vld [tilespmem:s17+$0xA180]  }
0x241: {  	v0 =	vadd.f32 v3, v0  }
0x242: {  	v3 =	vld [tilespmem:s17+$0xA200]  }
0x243: {  	v0 =	vadd.f32 v1, v0  }
0x244: {  	v1 =	vld [tilespmem:s17+$0xA280]  }
0x245: {  	v0 =	vadd.f32 v2, v0  }
0x246: {  	v2 =	vld [tilespmem:s17+$0xA300]  }
0x247: {  	v0 =	vadd.f32 v3, v0  }
0x248: {  	v3 =	vld [tilespmem:s17+$0xA380]  }
0x249: {  	v0 =	vadd.f32 v1, v0  }
0x24a: {  	v1 =	vld [tilespmem:s17+$0xA400]  }
0x24b: {  	v0 =	vadd.f32 v2, v0  }
0x24c: {  	v2 =	vld [tilespmem:s17+$0xA480]  }
0x24d: {  	v0 =	vadd.f32 v3, v0  }
0x24e: {  	v3 =	vld [tilespmem:s17+$0xA500]  }
0x24f: {  	v0 =	vadd.f32 v1, v0  }
0x250: {  	v1 =	vld [tilespmem:s17+$0xA580]  }
0x251: {  	v0 =	vadd.f32 v2, v0  }
0x252: {  	v2 =	vld [tilespmem:s17+$0xA600]  }
0x253: {  	v0 =	vadd.f32 v3, v0  }
0x254: {  	v3 =	vld [tilespmem:s17+$0xA680]  }
0x255: {  	v0 =	vadd.f32 v1, v0  }
0x256: {  	v1 =	vld [tilespmem:s17+$0xA700]  }
0x257: {  	v0 =	vadd.f32 v2, v0  }
0x258: {  	v2 =	vld [tilespmem:s17+$0xA780]  }
0x259: {  	v0 =	vadd.f32 v3, v0;
	_ =	sdelay $0x1  }
.Ltmp7:
0x25a: {  	v0 =	vadd.f32 v1, v0;
	(pc) =	sbr.rel @p0 .LBB2_16-.Ltmp7, $4  }
0x25b: {  	_ = 	snop  }
0x25c: {  	v1 =	vadd.f32 v2, v0  }
0x25d: {  	s3 =	sshra.s32 s19, $0x2  }
0x25e: {  	s19 =	sadd.s32 $0x40, s19;
	v0 =	vld [tilespmem:s3+$0x9B00];
	[tilespmem:s17+$0xA980] =	vst v1;
	s17 =	smov.u32 s3  }
0x25f: {  	v1 =	vld [tilespmem:$0xAA00];
	_ =	sdelay $0x1  }
0x260: {  	v2 =	vld [tilespmem:s17+$0x9B80];
	_ =	sdelay $0x1  }
0x261: {  	v3 =	vld [tilespmem:s17+$0x9C00]  }
0x262: {  	v0 =	vadd.f32 v0, v1  }
0x263: {  	v41 =	vld [tilespmem:s17+$0x9C80]  }
0x264: {  	v0 =	vadd.f32 v2, v0  }
0x265: {  	v42 =	vld [tilespmem:s17+$0x9D00]  }
0x266: {  	v0 =	vadd.f32 v3, v0  }
0x267: {  	v43 =	vld [tilespmem:s17+$0x9D80]  }
0x268: {  	v0 =	vadd.f32 v41, v0  }
0x269: {  	v44 =	vld [tilespmem:s17+$0x9E00]  }
0x26a: {  	v0 =	vadd.f32 v42, v0  }
0x26b: {  	v45 =	vld [tilespmem:s17+$0x9E80]  }
0x26c: {  	v0 =	vadd.f32 v43, v0  }
0x26d: {  	v46 =	vld [tilespmem:s17+$0x9F00]  }
0x26e: {  	v0 =	vadd.f32 v44, v0  }
0x26f: {  	v47 =	vld [tilespmem:s17+$0x9F80]  }
0x270: {  	v0 =	vadd.f32 v45, v0  }
0x271: {  	v48 =	vld [tilespmem:s17+$0xA000]  }
0x272: {  	v0 =	vadd.f32 v46, v0  }
0x273: {  	v49 =	vld [tilespmem:s17+$0xA080]  }
0x274: {  	v0 =	vadd.f32 v47, v0  }
0x275: {  	v50 =	vld [tilespmem:s17+$0xA100]  }
0x276: {  	v0 =	vadd.f32 v48, v0  }
0x277: {  	v51 =	vld [tilespmem:s17+$0xA180]  }
0x278: {  	v0 =	vadd.f32 v49, v0  }
0x279: {  	v52 =	vld [tilespmem:s17+$0xA200]  }
0x27a: {  	v0 =	vadd.f32 v50, v0  }
0x27b: {  	v53 =	vld [tilespmem:s17+$0xA280]  }
0x27c: {  	v0 =	vadd.f32 v51, v0  }
0x27d: {  	v54 =	vld [tilespmem:s17+$0xA300]  }
0x27e: {  	v0 =	vadd.f32 v52, v0  }
0x27f: {  	v55 =	vld [tilespmem:s17+$0xA380]  }
0x280: {  	v0 =	vadd.f32 v53, v0  }
0x281: {  	v56 =	vld [tilespmem:s17+$0xA400]  }
0x282: {  	v0 =	vadd.f32 v54, v0  }
0x283: {  	v57 =	vld [tilespmem:s17+$0xA480]  }
0x284: {  	v0 =	vadd.f32 v55, v0  }
0x285: {  	v58 =	vld [tilespmem:s17+$0xA500]  }
0x286: {  	v0 =	vadd.f32 v56, v0  }
0x287: {  	v59 =	vld [tilespmem:s17+$0xA580]  }
0x288: {  	v0 =	vadd.f32 v57, v0  }
0x289: {  	v60 =	vld [tilespmem:s17+$0xA600]  }
0x28a: {  	v0 =	vadd.f32 v58, v0  }
0x28b: {  	v61 =	vld [tilespmem:s17+$0xA680]  }
0x28c: {  	v0 =	vadd.f32 v59, v0  }
0x28d: {  	v62 =	vld [tilespmem:s17+$0xA700]  }
0x28e: {  	v0 =	vadd.f32 v60, v0  }
0x28f: {  	v63 =	vld [tilespmem:s17+$0xA780]  }
0x290: {  	v0 =	vadd.f32 v61, v0;
	_ =	sdelay $0x1  }
0x291: {  	v0 =	vadd.f32 v62, v0;
	_ =	sdelay $0x1  }
0x292: {  	s1 =	sadd.s32 $0x1, s1;
	v0 =	vadd.f32 v63, v0  }
0x293: {  	p0 =	sne.s32 s1, s14  }
.Ltmp8:
0x294: {  	s3 =	simm.s32 $0xA800;
	[tilespmem:s17+$0xA980] =	vst v0;
	(pc) =	sbr.rel @p0 .LBB2_1-.Ltmp8, $4  }
0x295: {  	[hbm4b:s13+s2] =	stream.linear.scatter [tilespmem:s3], [sflag:$0x9], $0x200, $0x38;
	[tilespmem:$0xAA80] =	vst v63  }
0x296: {  	_ =	swait.ge [sflag:s22], $0x200  }
0x297: {  	[sflag:s22] =	ssyncset.done $0x0  }
0x298: {  	[sflag:s22] =	ssyncadd.s32 $0xFFFFFE00  }
0x299: {  	_ =	sfence.sel $0x180000  }
0x29a: {  	[bflag:$0x0] =	sbarrier.arrive $0xFFFF  }
0x29b: {  	_ =	strace $0x90000047  }
0x29c: {  	s0 =	stileid.u32;
	[bflag:$0x2] =	sbarrier.arrive $0xFFFF  }
0x29d: {  	p0 =	sne.s32 s0, $0x0;
	s0 =	rddreg [dreg:$0x3]  }
0x29e: {  	s0 =	sadd.s32 @!p0 $0x100000, s0  }
0x29f: {  	[sflag:s0] =	ssyncadd.tile.s32 @!p0 $0x1;
	_ =	shalt  }
.Lfunc_end2:
_tile_overlayer_lowered:
.L_overlay_start_2:
0x2a0: {  	(tag) =	ssettag $0x2  }
0x2a1: {  	s0 =	rddreg [dreg:$0x0];
	s2 =	stileid.u32  }
0x2a2: {  	s1 =	rddreg [dreg:$0x1];
	p0 =	sne.s32 s2, $0x0  }
0x2a3: {  	s3 =	rddreg [dreg:$0x2];
	[bflag:$0x3] =	sbarrier.arrive $0xFFFF;
	s2 =	simm.s32 @!p0 $0x1C09  }
0x2a4: {  	[timem:s3], [sflag:s2] =	dma.local @!p0 [hbm:s0], s1  }
0x2a5: {  	s0 =	simm.s32 @!p0 $0x9  }
0x2a6: {  	_ =	swait.ge @!p0 [sflag:s0], s1  }
0x2a7: {  	s1 =	ssub.s32 @!p0 $0x0, s1;
	[sflag:s0] =	ssyncset.done @!p0 $0x0  }
0x2a8: {  	[sflag:s0] =	ssyncadd.s32 @!p0 s1  }
0x2a9: {  	[bflag:$0x3] =	sbarrier.arrive $0xFFFF  }
0x2aa: {  	_ =	shalt  }

</sc_bundles>
